<compile_context>
chip_gen: v7x
topology: tpu7x:2x2x1
jax: 0.10.2.dev20260603
libtpu: 0.0.44.dev20260713+nightly
codegen_flags: <defaults>
</compile_context>

<pallas_src>
import functools

import jax
import jax.numpy as jnp
from jax import lax
from jax.experimental import pallas as pl
from jax.experimental.pallas import tpu as pltpu
from jax.experimental.pallas import tpu_sc as plsc

_NC = 2
_NS = 16
_L = 16


def _make_sc_kernel(S, B, D, CS):
    n_workers = _NC * _NS
    rows_per_w = S // n_workers
    n_chunks = rows_per_w // CS
    mesh = plsc.VectorSubcoreMesh(
        core_axis_name="c", subcore_axis_name="s",
        num_cores=_NC, num_subcores=_NS,
    )

    nbuf = 3

    @functools.partial(
        pl.kernel,
        out_type=jax.ShapeDtypeStruct((S, B, D), jnp.float32),
        mesh=mesh,
        scratch_types=(
            [pltpu.VMEM((CS, B, D), jnp.float32) for _ in range(nbuf)]
            + [pltpu.VMEM((CS, D), jnp.float32) for _ in range(nbuf)]
            + [pltpu.SemaphoreType.DMA] * (3 * nbuf)
        ),
    )
    def sc_kernel(x_hbm, pos_hbm, out_hbm, *refs):
        xb = refs[0:nbuf]
        pb = refs[nbuf:2 * nbuf]
        slx = refs[2 * nbuf:3 * nbuf]
        slp = refs[3 * nbuf:4 * nbuf]
        sst = refs[4 * nbuf:5 * nbuf]

        wid = lax.axis_index("s") * _NC + lax.axis_index("c")
        base = wid * rows_per_w

        def start_load(j, b):
            s0 = base + j * CS
            pltpu.async_copy(x_hbm.at[pl.ds(s0, CS)], xb[b], slx[b])
            pltpu.async_copy(pos_hbm.at[pl.ds(s0, CS)], pb[b], slp[b])

        def wait_load(b):
            pltpu.make_async_copy(x_hbm.at[pl.ds(0, CS)], xb[b], slx[b]).wait()
            pltpu.make_async_copy(pos_hbm.at[pl.ds(0, CS)], pb[b], slp[b]).wait()

        def start_store(j, b):
            s0 = base + j * CS
            pltpu.async_copy(xb[b], out_hbm.at[pl.ds(s0, CS)], sst[b])

        def wait_store(b):
            pltpu.make_async_copy(xb[b], out_hbm.at[pl.ds(0, CS)], sst[b]).wait()

        def compute(b):
            @pl.loop(0, D // _L)
            def _vec(k):
                sl = pl.ds(k * _L, _L)
                for r in range(CS):
                    p = pb[b][r, sl]
                    for bb in range(B):
                        xb[b][r, bb, sl] = xb[b][r, bb, sl] + p

        depth = 2

        def step(j, b):
            lb = (b + depth) % nbuf

            def issue():
                if isinstance(j, int):
                    if j + depth >= nbuf:
                        wait_store(lb)
                    start_load(j + depth, lb)
                else:
                    @pl.when(j + depth >= nbuf)
                    def _ws():
                        wait_store(lb)
                    start_load(j + depth, lb)

            if isinstance(j, int):
                if j + depth < n_chunks:
                    issue()
            else:
                @pl.when(j + depth < n_chunks)
                def _ld():
                    issue()

            wait_load(b)
            compute(b)
            start_store(j, b)

        for j0 in range(depth):
            start_load(j0, j0)
        n_loop = (n_chunks // nbuf) * nbuf

        @pl.loop(0, n_loop, step=nbuf)
        def _chunk(i):
            for b in range(nbuf):
                step(i + b, b)

        for jt in range(n_loop, n_chunks):
            step(jt, jt % nbuf)

        for jt in range(n_chunks - nbuf, n_chunks):
            wait_store(jt % nbuf)

    return sc_kernel


def kernel(x, pos_table):
    S, B, D = x.shape
    return _make_sc_kernel(S, B, D, CS=4)(x, pos_table)

# --- scband reference (transcript-rebuilt; emitter-appended) ---
"""Pipeline reference for scband-learnable-positional-embedding-919123001409 (READ-ONLY COPY).

The authoritative reference and input builder live on the scoring server;
editing this copy changes nothing except your own understanding.
"""

import jax, jax.numpy as jnp
import numpy as np

D_MODEL = 2048
MAX_LEN = 2048
SEQ_LEN = 2048
BATCH = 4


def setup_inputs(seed: int = 0) -> dict:
    key = jax.random.key(seed)
    k1, k2 = jax.random.split(key)
    x = jax.random.normal(k1, (SEQ_LEN, BATCH, D_MODEL), dtype=jnp.float32)
    # learned positional embedding table, like torch.nn.Embedding(max_len, d_model)
    pos_table = jax.random.normal(k2, (MAX_LEN, D_MODEL), dtype=jnp.float32)
    return {"x": x, "pos_table": pos_table}


def reference(x, pos_table):
    seq_len = x.shape[0]
    # position_ids: [seq_len] -> [seq_len, 1] -> broadcast to [seq_len, batch]
    position_ids = jnp.arange(seq_len, dtype=jnp.int32)
    position_ids = jnp.broadcast_to(position_ids[:, None], x.shape[:2])
    # embedding lookup: gather rows of pos_table -> [seq_len, batch, d_model]
    pos_emb = jnp.take(pos_table, position_ids, axis=0)
    return x + pos_emb

if __name__ == "__main__":
    import jax
    _d = setup_inputs()
    print(jax.jit(kernel)(*tuple(_d.values())))

</pallas_src>

<mosaic_0001>
#map = affine_map<(d0, d1) -> (0, 0, 0)>
#map1 = affine_map<(d0, d1) -> (0, 0)>
module attributes {stable_mosaic.version = 14 : i64} {
  func.func @sc_kernel(%arg0: i32, %arg1: i32, %arg2: memref<2048x4x2048xf32, #tpu.memory_space<hbm>>, %arg3: memref<2048x2048xf32, #tpu.memory_space<hbm>>, %arg4: memref<2048x4x2048xf32, #tpu.memory_space<hbm>>, %arg5: memref<4x4x2048xf32, #tpu.memory_space<vmem>>, %arg6: memref<4x4x2048xf32, #tpu.memory_space<vmem>>, %arg7: memref<4x4x2048xf32, #tpu.memory_space<vmem>>, %arg8: memref<4x2048xf32, #tpu.memory_space<vmem>>, %arg9: memref<4x2048xf32, #tpu.memory_space<vmem>>, %arg10: memref<4x2048xf32, #tpu.memory_space<vmem>>, %arg11: memref<!tpu.dma_semaphore, #tpu.memory_space<semaphore_mem>>, %arg12: memref<!tpu.dma_semaphore, #tpu.memory_space<semaphore_mem>>, %arg13: memref<!tpu.dma_semaphore, #tpu.memory_space<semaphore_mem>>, %arg14: memref<!tpu.dma_semaphore, #tpu.memory_space<semaphore_mem>>, %arg15: memref<!tpu.dma_semaphore, #tpu.memory_space<semaphore_mem>>, %arg16: memref<!tpu.dma_semaphore, #tpu.memory_space<semaphore_mem>>, %arg17: memref<!tpu.dma_semaphore, #tpu.memory_space<semaphore_mem>>, %arg18: memref<!tpu.dma_semaphore, #tpu.memory_space<semaphore_mem>>, %arg19: memref<!tpu.dma_semaphore, #tpu.memory_space<semaphore_mem>>) attributes {dimension_semantics = [#tpu.dimension_semantics<core_parallel>, #tpu.dimension_semantics<subcore_parallel>], iteration_bounds = array<i64: 2, 16>, scalar_prefetch = 0 : i64, scratch_operands = 15 : i64, tpu.core_type = #tpu.core_type<sc_vector_subcore>, window_params = [{transform_indices = #map}, {transform_indices = #map1}, {transform_indices = #map}]} {
    %mul3A = arith.constant 2 : i32
    %mul3A_0 = arith.muli %arg1, %mul3A : i32
    %add3A = arith.addi %mul3A_0, %arg0 : i32
    %mul3A_1 = arith.constant 64 : i32
    %mul3A_2 = arith.muli %add3A, %mul3A_1 : i32
    %add3A_3 = arith.constant 0 : i32
    %add3A_4 = arith.addi %mul3A_2, %add3A_3 : i32
    %dma_start3A = arith.constant 0 : i32
    %dma_start3A_5 = arith.constant 0 : i32
    %dma_start3A_6 = tpu.memref_slice %arg2[%add3A_4, %dma_start3A, %dma_start3A_5] : memref<2048x4x2048xf32, #tpu.memory_space<hbm>> -> memref<4x4x2048xf32, #tpu.memory_space<hbm>>
    %dma_start3A_7 = arith.constant 0 : i32
    %dma_start3A_8 = arith.constant 0 : i32
    %dma_start3A_9 = tpu.memref_slice %arg2[%add3A_4, %dma_start3A_7, %dma_start3A_8] : memref<2048x4x2048xf32, #tpu.memory_space<hbm>> -> memref<4x4x2048xf32, #tpu.memory_space<hbm>>
    tpu.enqueue_dma source(%dma_start3A_9 : memref<4x4x2048xf32, #tpu.memory_space<hbm>>) target(%arg5 : memref<4x4x2048xf32, #tpu.memory_space<vmem>>) target_semaphore(%arg11 : memref<!tpu.dma_semaphore, #tpu.memory_space<semaphore_mem>>)
    %dma_start3A_10 = arith.constant 0 : i32
    %dma_start3A_11 = tpu.memref_slice %arg3[%add3A_4, %dma_start3A_10] : memref<2048x2048xf32, #tpu.memory_space<hbm>> -> memref<4x2048xf32, #tpu.memory_space<hbm>>
    %dma_start3A_12 = arith.constant 0 : i32
    %dma_start3A_13 = tpu.memref_slice %arg3[%add3A_4, %dma_start3A_12] : memref<2048x2048xf32, #tpu.memory_space<hbm>> -> memref<4x2048xf32, #tpu.memory_space<hbm>>
    tpu.enqueue_dma source(%dma_start3A_13 : memref<4x2048xf32, #tpu.memory_space<hbm>>) target(%arg8 : memref<4x2048xf32, #tpu.memory_space<vmem>>) target_semaphore(%arg14 : memref<!tpu.dma_semaphore, #tpu.memory_space<semaphore_mem>>)
    %add3A_14 = arith.constant 4 : i32
    %add3A_15 = arith.addi %mul3A_2, %add3A_14 : i32
    %dma_start3A_16 = arith.constant 0 : i32
    %dma_start3A_17 = arith.constant 0 : i32
    %dma_start3A_18 = tpu.memref_slice %arg2[%add3A_15, %dma_start3A_16, %dma_start3A_17] : memref<2048x4x2048xf32, #tpu.memory_space<hbm>> -> memref<4x4x2048xf32, #tpu.memory_space<hbm>>
    %dma_start3A_19 = arith.constant 0 : i32
    %dma_start3A_20 = arith.constant 0 : i32
    %dma_start3A_21 = tpu.memref_slice %arg2[%add3A_15, %dma_start3A_19, %dma_start3A_20] : memref<2048x4x2048xf32, #tpu.memory_space<hbm>> -> memref<4x4x2048xf32, #tpu.memory_space<hbm>>
    tpu.enqueue_dma source(%dma_start3A_21 : memref<4x4x2048xf32, #tpu.memory_space<hbm>>) target(%arg6 : memref<4x4x2048xf32, #tpu.memory_space<vmem>>) target_semaphore(%arg12 : memref<!tpu.dma_semaphore, #tpu.memory_space<semaphore_mem>>)
    %dma_start3A_22 = arith.constant 0 : i32
    %dma_start3A_23 = tpu.memref_slice %arg3[%add3A_15, %dma_start3A_22] : memref<2048x2048xf32, #tpu.memory_space<hbm>> -> memref<4x2048xf32, #tpu.memory_space<hbm>>
    %dma_start3A_24 = arith.constant 0 : i32
    %dma_start3A_25 = tpu.memref_slice %arg3[%add3A_15, %dma_start3A_24] : memref<2048x2048xf32, #tpu.memory_space<hbm>> -> memref<4x2048xf32, #tpu.memory_space<hbm>>
    tpu.enqueue_dma source(%dma_start3A_25 : memref<4x2048xf32, #tpu.memory_space<hbm>>) target(%arg9 : memref<4x2048xf32, #tpu.memory_space<vmem>>) target_semaphore(%arg15 : memref<!tpu.dma_semaphore, #tpu.memory_space<semaphore_mem>>)
    %scan3A = arith.constant 0 : i32
    %scan3A_26 = arith.constant 5 : i32
    %scan3A_27 = arith.addi %scan3A, %scan3A_26 : i32
    %scan3A_28 = arith.constant 1 : i32
    scf.for %scan3A_80 = %scan3A to %scan3A_27 step %scan3A_28  : i32 {
      %mul3A_81 = arith.constant 3 : i32
      %mul3A_82 = arith.muli %scan3A_80, %mul3A_81 : i32
      %add3A_83 = arith.constant 0 : i32
      %add3A_84 = arith.addi %add3A_83, %mul3A_82 : i32
      %add3A_85 = arith.constant 0 : i32
      %add3A_86 = arith.addi %add3A_84, %add3A_85 : i32
      %add3A_87 = arith.constant 2 : i32
      %add3A_88 = arith.addi %add3A_86, %add3A_87 : i32
      %lt3A = arith.constant 16 : i32
      %lt3A_89 = arith.cmpi slt, %add3A_88, %lt3A : i32
      %convert_element_type3A = arith.extui %lt3A_89 : i1 to i32
      %cond3A = arith.constant 0 : i32
      %cond3A_90 = arith.cmpi ne, %convert_element_type3A, %cond3A : i32
      scf.if %cond3A_90 {
        %add3A_193 = arith.constant 2 : i32
        %add3A_194 = arith.addi %add3A_86, %add3A_193 : i32
        %ge3A = arith.constant 3 : i32
        %ge3A_195 = arith.cmpi sge, %add3A_194, %ge3A : i32
        %convert_element_type3A_196 = arith.extui %ge3A_195 : i1 to i32
        %cond3A_197 = arith.constant 0 : i32
        %cond3A_198 = arith.cmpi ne, %convert_element_type3A_196, %cond3A_197 : i32
        scf.if %cond3A_198 {
          %dma_wait3A_214 = arith.constant 0 : i32
          %dma_wait3A_215 = arith.constant 0 : i32
          %dma_wait3A_216 = arith.constant 0 : i32
          %dma_wait3A_217 = tpu.memref_slice %arg4[%dma_wait3A_214, %dma_wait3A_215, %dma_wait3A_216] : memref<2048x4x2048xf32, #tpu.memory_space<hbm>> -> memref<4x4x2048xf32, #tpu.memory_space<hbm>>
          %dma_wait3A_218 = arith.constant 0 : i32
          %dma_wait3A_219 = arith.constant 0 : i32
          %dma_wait3A_220 = arith.constant 0 : i32
          %dma_wait3A_221 = tpu.memref_slice %arg4[%dma_wait3A_218, %dma_wait3A_219, %dma_wait3A_220] : memref<2048x4x2048xf32, #tpu.memory_space<hbm>> -> memref<4x4x2048xf32, #tpu.memory_space<hbm>>
          tpu.wait_dma2 semaphore(%arg19 : memref<!tpu.dma_semaphore, #tpu.memory_space<semaphore_mem>>) src(%arg7 : memref<4x4x2048xf32, #tpu.memory_space<vmem>>) dst(%dma_wait3A_221 : memref<4x4x2048xf32, #tpu.memory_space<hbm>>)
        } else {
        }
        %add3A_199 = arith.constant 2 : i32
        %add3A_200 = arith.addi %add3A_86, %add3A_199 : i32
        %mul3A_201 = arith.constant 4 : i32
        %mul3A_202 = arith.muli %add3A_200, %mul3A_201 : i32
        %add3A_203 = arith.addi %mul3A_2, %mul3A_202 : i32
        %dma_start3A_204 = arith.constant 0 : i32
        %dma_start3A_205 = arith.constant 0 : i32
        %dma_start3A_206 = tpu.memref_slice %arg2[%add3A_203, %dma_start3A_204, %dma_start3A_205] : memref<2048x4x2048xf32, #tpu.memory_space<hbm>> -> memref<4x4x2048xf32, #tpu.memory_space<hbm>>
        %dma_start3A_207 = arith.constant 0 : i32
        %dma_start3A_208 = arith.constant 0 : i32
        %dma_start3A_209 = tpu.memref_slice %arg2[%add3A_203, %dma_start3A_207, %dma_start3A_208] : memref<2048x4x2048xf32, #tpu.memory_space<hbm>> -> memref<4x4x2048xf32, #tpu.memory_space<hbm>>
        tpu.enqueue_dma source(%dma_start3A_209 : memref<4x4x2048xf32, #tpu.memory_space<hbm>>) target(%arg7 : memref<4x4x2048xf32, #tpu.memory_space<vmem>>) target_semaphore(%arg13 : memref<!tpu.dma_semaphore, #tpu.memory_space<semaphore_mem>>)
        %dma_start3A_210 = arith.constant 0 : i32
        %dma_start3A_211 = tpu.memref_slice %arg3[%add3A_203, %dma_start3A_210] : memref<2048x2048xf32, #tpu.memory_space<hbm>> -> memref<4x2048xf32, #tpu.memory_space<hbm>>
        %dma_start3A_212 = arith.constant 0 : i32
        %dma_start3A_213 = tpu.memref_slice %arg3[%add3A_203, %dma_start3A_212] : memref<2048x2048xf32, #tpu.memory_space<hbm>> -> memref<4x2048xf32, #tpu.memory_space<hbm>>
        tpu.enqueue_dma source(%dma_start3A_213 : memref<4x2048xf32, #tpu.memory_space<hbm>>) target(%arg10 : memref<4x2048xf32, #tpu.memory_space<vmem>>) target_semaphore(%arg16 : memref<!tpu.dma_semaphore, #tpu.memory_space<semaphore_mem>>)
      } else {
      }
      %dma_wait3A_91 = arith.constant 0 : i32
      %dma_wait3A_92 = arith.constant 0 : i32
      %dma_wait3A_93 = arith.constant 0 : i32
      %dma_wait3A_94 = tpu.memref_slice %arg2[%dma_wait3A_91, %dma_wait3A_92, %dma_wait3A_93] : memref<2048x4x2048xf32, #tpu.memory_space<hbm>> -> memref<4x4x2048xf32, #tpu.memory_space<hbm>>
      %dma_wait3A_95 = arith.constant 0 : i32
      %dma_wait3A_96 = arith.constant 0 : i32
      %dma_wait3A_97 = arith.constant 0 : i32
      %dma_wait3A_98 = tpu.memref_slice %arg2[%dma_wait3A_95, %dma_wait3A_96, %dma_wait3A_97] : memref<2048x4x2048xf32, #tpu.memory_space<hbm>> -> memref<4x4x2048xf32, #tpu.memory_space<hbm>>
      tpu.wait_dma2 semaphore(%arg11 : memref<!tpu.dma_semaphore, #tpu.memory_space<semaphore_mem>>) src(%dma_wait3A_98 : memref<4x4x2048xf32, #tpu.memory_space<hbm>>) dst(%arg5 : memref<4x4x2048xf32, #tpu.memory_space<vmem>>)
      %dma_wait3A_99 = arith.constant 0 : i32
      %dma_wait3A_100 = arith.constant 0 : i32
      %dma_wait3A_101 = tpu.memref_slice %arg3[%dma_wait3A_99, %dma_wait3A_100] : memref<2048x2048xf32, #tpu.memory_space<hbm>> -> memref<4x2048xf32, #tpu.memory_space<hbm>>
      %dma_wait3A_102 = arith.constant 0 : i32
      %dma_wait3A_103 = arith.constant 0 : i32
      %dma_wait3A_104 = tpu.memref_slice %arg3[%dma_wait3A_102, %dma_wait3A_103] : memref<2048x2048xf32, #tpu.memory_space<hbm>> -> memref<4x2048xf32, #tpu.memory_space<hbm>>
      tpu.wait_dma2 semaphore(%arg14 : memref<!tpu.dma_semaphore, #tpu.memory_space<semaphore_mem>>) src(%dma_wait3A_104 : memref<4x2048xf32, #tpu.memory_space<hbm>>) dst(%arg8 : memref<4x2048xf32, #tpu.memory_space<vmem>>)
      %scan3A_105 = arith.constant 0 : i32
      %scan3A_106 = arith.constant 128 : i32
      %scan3A_107 = arith.addi %scan3A_105, %scan3A_106 : i32
      %scan3A_108 = arith.constant 1 : i32
      scf.for %scan3A_193 = %scan3A_105 to %scan3A_107 step %scan3A_108  : i32 {
        %mul3A_194 = arith.constant 1 : i32
        %mul3A_195 = arith.muli %scan3A_193, %mul3A_194 : i32
        %add3A_196 = arith.constant 0 : i32
        %add3A_197 = arith.addi %add3A_196, %mul3A_195 : i32
        %mul3A_198 = arith.constant 16 : i32
        %mul3A_199 = arith.muli %add3A_197, %mul3A_198 : i32
        %get3A = arith.constant 0 : i32
        %get3A_200 = arith.index_cast %get3A : i32 to index
        %get3A_201 = arith.index_cast %mul3A_199 : i32 to index
        %get3A_202 = tpu.vector_load %arg8[%get3A_200, %get3A_201] {strides = array<i32>} : memref<4x2048xf32, #tpu.memory_space<vmem>>, vector<1x16xf32>,
        %get3A_203 = vector.shape_cast %get3A_202 : vector<1x16xf32> to vector<16xf32>
        %get3A_204 = arith.constant 0 : i32
        %get3A_205 = arith.constant 0 : i32
        %get3A_206 = arith.index_cast %get3A_204 : i32 to index
        %get3A_207 = arith.index_cast %get3A_205 : i32 to index
        %get3A_208 = arith.index_cast %mul3A_199 : i32 to index
        %get3A_209 = tpu.vector_load %arg5[%get3A_206, %get3A_207, %get3A_208] {strides = array<i32>} : memref<4x4x2048xf32, #tpu.memory_space<vmem>>, vector<1x1x16xf32>,
        %get3A_210 = vector.shape_cast %get3A_209 : vector<1x1x16xf32> to vector<16xf32>
        %add3A_211 = arith.addf %get3A_210, %get3A_203 : vector<16xf32>
        %swap3A = arith.constant 0 : i32
        %swap3A_212 = arith.constant 0 : i32
        %swap3A_213 = arith.index_cast %swap3A : i32 to index
        %swap3A_214 = arith.index_cast %swap3A_212 : i32 to index
        %swap3A_215 = arith.index_cast %mul3A_199 : i32 to index
        %swap3A_216 = tpu.vector_load %arg5[%swap3A_213, %swap3A_214, %swap3A_215] {strides = array<i32>} : memref<4x4x2048xf32, #tpu.memory_space<vmem>>, vector<1x1x16xf32>,
        %swap3A_217 = vector.shape_cast %swap3A_216 : vector<1x1x16xf32> to vector<16xf32>
        %swap3A_218 = vector.shape_cast %add3A_211 : vector<16xf32> to vector<1x1x16xf32>
        tpu.vector_store %arg5[%swap3A_213, %swap3A_214, %swap3A_215], %swap3A_218 {strides = array<i32>} : memref<4x4x2048xf32, #tpu.memory_space<vmem>>, vector<1x1x16xf32>,
        %get3A_219 = arith.constant 0 : i32
        %get3A_220 = arith.constant 1 : i32
        %get3A_221 = arith.index_cast %get3A_219 : i32 to index
        %get3A_222 = arith.index_cast %get3A_220 : i32 to index
        %get3A_223 = arith.index_cast %mul3A_199 : i32 to index
        %get3A_224 = tpu.vector_load %arg5[%get3A_221, %get3A_222, %get3A_223] {strides = array<i32>} : memref<4x4x2048xf32, #tpu.memory_space<vmem>>, vector<1x1x16xf32>,
        %get3A_225 = vector.shape_cast %get3A_224 : vector<1x1x16xf32> to vector<16xf32>
        %add3A_226 = arith.addf %get3A_225, %get3A_203 : vector<16xf32>
        %swap3A_227 = arith.constant 0 : i32
        %swap3A_228 = arith.constant 1 : i32
        %swap3A_229 = arith.index_cast %swap3A_227 : i32 to index
        %swap3A_230 = arith.index_cast %swap3A_228 : i32 to index
        %swap3A_231 = arith.index_cast %mul3A_199 : i32 to index
        %swap3A_232 = tpu.vector_load %arg5[%swap3A_229, %swap3A_230, %swap3A_231] {strides = array<i32>} : memref<4x4x2048xf32, #tpu.memory_space<vmem>>, vector<1x1x16xf32>,
        %swap3A_233 = vector.shape_cast %swap3A_232 : vector<1x1x16xf32> to vector<16xf32>
        %swap3A_234 = vector.shape_cast %add3A_226 : vector<16xf32> to vector<1x1x16xf32>
        tpu.vector_store %arg5[%swap3A_229, %swap3A_230, %swap3A_231], %swap3A_234 {strides = array<i32>} : memref<4x4x2048xf32, #tpu.memory_space<vmem>>, vector<1x1x16xf32>,
        %get3A_235 = arith.constant 0 : i32
        %get3A_236 = arith.constant 2 : i32
        %get3A_237 = arith.index_cast %get3A_235 : i32 to index
        %get3A_238 = arith.index_cast %get3A_236 : i32 to index
        %get3A_239 = arith.index_cast %mul3A_199 : i32 to index
        %get3A_240 = tpu.vector_load %arg5[%get3A_237, %get3A_238, %get3A_239] {strides = array<i32>} : memref<4x4x2048xf32, #tpu.memory_space<vmem>>, vector<1x1x16xf32>,
        %get3A_241 = vector.shape_cast %get3A_240 : vector<1x1x16xf32> to vector<16xf32>
        %add3A_242 = arith.addf %get3A_241, %get3A_203 : vector<16xf32>
        %swap3A_243 = arith.constant 0 : i32
        %swap3A_244 = arith.constant 2 : i32
        %swap3A_245 = arith.index_cast %swap3A_243 : i32 to index
        %swap3A_246 = arith.index_cast %swap3A_244 : i32 to index
        %swap3A_247 = arith.index_cast %mul3A_199 : i32 to index
        %swap3A_248 = tpu.vector_load %arg5[%swap3A_245, %swap3A_246, %swap3A_247] {strides = array<i32>} : memref<4x4x2048xf32, #tpu.memory_space<vmem>>, vector<1x1x16xf32>,
        %swap3A_249 = vector.shape_cast %swap3A_248 : vector<1x1x16xf32> to vector<16xf32>
        %swap3A_250 = vector.shape_cast %add3A_242 : vector<16xf32> to vector<1x1x16xf32>
        tpu.vector_store %arg5[%swap3A_245, %swap3A_246, %swap3A_247], %swap3A_250 {strides = array<i32>} : memref<4x4x2048xf32, #tpu.memory_space<vmem>>, vector<1x1x16xf32>,
        %get3A_251 = arith.constant 0 : i32
        %get3A_252 = arith.constant 3 : i32
        %get3A_253 = arith.index_cast %get3A_251 : i32 to index
        %get3A_254 = arith.index_cast %get3A_252 : i32 to index
        %get3A_255 = arith.index_cast %mul3A_199 : i32 to index
        %get3A_256 = tpu.vector_load %arg5[%get3A_253, %get3A_254, %get3A_255] {strides = array<i32>} : memref<4x4x2048xf32, #tpu.memory_space<vmem>>, vector<1x1x16xf32>,
        %get3A_257 = vector.shape_cast %get3A_256 : vector<1x1x16xf32> to vector<16xf32>
        %add3A_258 = arith.addf %get3A_257, %get3A_203 : vector<16xf32>
        %swap3A_259 = arith.constant 0 : i32
        %swap3A_260 = arith.constant 3 : i32
        %swap3A_261 = arith.index_cast %swap3A_259 : i32 to index
        %swap3A_262 = arith.index_cast %swap3A_260 : i32 to index
        %swap3A_263 = arith.index_cast %mul3A_199 : i32 to index
        %swap3A_264 = tpu.vector_load %arg5[%swap3A_261, %swap3A_262, %swap3A_263] {strides = array<i32>} : memref<4x4x2048xf32, #tpu.memory_space<vmem>>, vector<1x1x16xf32>,
        %swap3A_265 = vector.shape_cast %swap3A_264 : vector<1x1x16xf32> to vector<16xf32>
        %swap3A_266 = vector.shape_cast %add3A_258 : vector<16xf32> to vector<1x1x16xf32>
        tpu.vector_store %arg5[%swap3A_261, %swap3A_262, %swap3A_263], %swap3A_266 {strides = array<i32>} : memref<4x4x2048xf32, #tpu.memory_space<vmem>>, vector<1x1x16xf32>,
        %get3A_267 = arith.constant 1 : i32
        %get3A_268 = arith.index_cast %get3A_267 : i32 to index
        %get3A_269 = arith.index_cast %mul3A_199 : i32 to index
        %get3A_270 = tpu.vector_load %arg8[%get3A_268, %get3A_269] {strides = array<i32>} : memref<4x2048xf32, #tpu.memory_space<vmem>>, vector<1x16xf32>,
        %get3A_271 = vector.shape_cast %get3A_270 : vector<1x16xf32> to vector<16xf32>
        %get3A_272 = arith.constant 1 : i32
        %get3A_273 = arith.constant 0 : i32
        %get3A_274 = arith.index_cast %get3A_272 : i32 to index
        %get3A_275 = arith.index_cast %get3A_273 : i32 to index
        %get3A_276 = arith.index_cast %mul3A_199 : i32 to index
        %get3A_277 = tpu.vector_load %arg5[%get3A_274, %get3A_275, %get3A_276] {strides = array<i32>} : memref<4x4x2048xf32, #tpu.memory_space<vmem>>, vector<1x1x16xf32>,
        %get3A_278 = vector.shape_cast %get3A_277 : vector<1x1x16xf32> to vector<16xf32>
        %add3A_279 = arith.addf %get3A_278, %get3A_271 : vector<16xf32>
        %swap3A_280 = arith.constant 1 : i32
        %swap3A_281 = arith.constant 0 : i32
        %swap3A_282 = arith.index_cast %swap3A_280 : i32 to index
        %swap3A_283 = arith.index_cast %swap3A_281 : i32 to index
        %swap3A_284 = arith.index_cast %mul3A_199 : i32 to index
        %swap3A_285 = tpu.vector_load %arg5[%swap3A_282, %swap3A_283, %swap3A_284] {strides = array<i32>} : memref<4x4x2048xf32, #tpu.memory_space<vmem>>, vector<1x1x16xf32>,
        %swap3A_286 = vector.shape_cast %swap3A_285 : vector<1x1x16xf32> to vector<16xf32>
        %swap3A_287 = vector.shape_cast %add3A_279 : vector<16xf32> to vector<1x1x16xf32>
        tpu.vector_store %arg5[%swap3A_282, %swap3A_283, %swap3A_284], %swap3A_287 {strides = array<i32>} : memref<4x4x2048xf32, #tpu.memory_space<vmem>>, vector<1x1x16xf32>,
        %get3A_288 = arith.constant 1 : i32
        %get3A_289 = arith.constant 1 : i32
        %get3A_290 = arith.index_cast %get3A_288 : i32 to index
        %get3A_291 = arith.index_cast %get3A_289 : i32 to index
        %get3A_292 = arith.index_cast %mul3A_199 : i32 to index
        %get3A_293 = tpu.vector_load %arg5[%get3A_290, %get3A_291, %get3A_292] {strides = array<i32>} : memref<4x4x2048xf32, #tpu.memory_space<vmem>>, vector<1x1x16xf32>,
        %get3A_294 = vector.shape_cast %get3A_293 : vector<1x1x16xf32> to vector<16xf32>
        %add3A_295 = arith.addf %get3A_294, %get3A_271 : vector<16xf32>
        %swap3A_296 = arith.constant 1 : i32
        %swap3A_297 = arith.constant 1 : i32
        %swap3A_298 = arith.index_cast %swap3A_296 : i32 to index
        %swap3A_299 = arith.index_cast %swap3A_297 : i32 to index
        %swap3A_300 = arith.index_cast %mul3A_199 : i32 to index
        %swap3A_301 = tpu.vector_load %arg5[%swap3A_298, %swap3A_299, %swap3A_300] {strides = array<i32>} : memref<4x4x2048xf32, #tpu.memory_space<vmem>>, vector<1x1x16xf32>,
        %swap3A_302 = vector.shape_cast %swap3A_301 : vector<1x1x16xf32> to vector<16xf32>
        %swap3A_303 = vector.shape_cast %add3A_295 : vector<16xf32> to vector<1x1x16xf32>
        tpu.vector_store %arg5[%swap3A_298, %swap3A_299, %swap3A_300], %swap3A_303 {strides = array<i32>} : memref<4x4x2048xf32, #tpu.memory_space<vmem>>, vector<1x1x16xf32>,
        %get3A_304 = arith.constant 1 : i32
        %get3A_305 = arith.constant 2 : i32
        %get3A_306 = arith.index_cast %get3A_304 : i32 to index
        %get3A_307 = arith.index_cast %get3A_305 : i32 to index
        %get3A_308 = arith.index_cast %mul3A_199 : i32 to index
        %get3A_309 = tpu.vector_load %arg5[%get3A_306, %get3A_307, %get3A_308] {strides = array<i32>} : memref<4x4x2048xf32, #tpu.memory_space<vmem>>, vector<1x1x16xf32>,
        %get3A_310 = vector.shape_cast %get3A_309 : vector<1x1x16xf32> to vector<16xf32>
        %add3A_311 = arith.addf %get3A_310, %get3A_271 : vector<16xf32>
        %swap3A_312 = arith.constant 1 : i32
        %swap3A_313 = arith.constant 2 : i32
        %swap3A_314 = arith.index_cast %swap3A_312 : i32 to index
        %swap3A_315 = arith.index_cast %swap3A_313 : i32 to index
        %swap3A_316 = arith.index_cast %mul3A_199 : i32 to index
        %swap3A_317 = tpu.vector_load %arg5[%swap3A_314, %swap3A_315, %swap3A_316] {strides = array<i32>} : memref<4x4x2048xf32, #tpu.memory_space<vmem>>, vector<1x1x16xf32>,
        %swap3A_318 = vector.shape_cast %swap3A_317 : vector<1x1x16xf32> to vector<16xf32>
        %swap3A_319 = vector.shape_cast %add3A_311 : vector<16xf32> to vector<1x1x16xf32>
        tpu.vector_store %arg5[%swap3A_314, %swap3A_315, %swap3A_316], %swap3A_319 {strides = array<i32>} : memref<4x4x2048xf32, #tpu.memory_space<vmem>>, vector<1x1x16xf32>,
        %get3A_320 = arith.constant 1 : i32
        %get3A_321 = arith.constant 3 : i32
        %get3A_322 = arith.index_cast %get3A_320 : i32 to index
        %get3A_323 = arith.index_cast %get3A_321 : i32 to index
        %get3A_324 = arith.index_cast %mul3A_199 : i32 to index
        %get3A_325 = tpu.vector_load %arg5[%get3A_322, %get3A_323, %get3A_324] {strides = array<i32>} : memref<4x4x2048xf32, #tpu.memory_space<vmem>>, vector<1x1x16xf32>,
        %get3A_326 = vector.shape_cast %get3A_325 : vector<1x1x16xf32> to vector<16xf32>
        %add3A_327 = arith.addf %get3A_326, %get3A_271 : vector<16xf32>
        %swap3A_328 = arith.constant 1 : i32
        %swap3A_329 = arith.constant 3 : i32
        %swap3A_330 = arith.index_cast %swap3A_328 : i32 to index
        %swap3A_331 = arith.index_cast %swap3A_329 : i32 to index
        %swap3A_332 = arith.index_cast %mul3A_199 : i32 to index
        %swap3A_333 = tpu.vector_load %arg5[%swap3A_330, %swap3A_331, %swap3A_332] {strides = array<i32>} : memref<4x4x2048xf32, #tpu.memory_space<vmem>>, vector<1x1x16xf32>,
        %swap3A_334 = vector.shape_cast %swap3A_333 : vector<1x1x16xf32> to vector<16xf32>
        %swap3A_335 = vector.shape_cast %add3A_327 : vector<16xf32> to vector<1x1x16xf32>
        tpu.vector_store %arg5[%swap3A_330, %swap3A_331, %swap3A_332], %swap3A_335 {strides = array<i32>} : memref<4x4x2048xf32, #tpu.memory_space<vmem>>, vector<1x1x16xf32>,
        %get3A_336 = arith.constant 2 : i32
        %get3A_337 = arith.index_cast %get3A_336 : i32 to index
        %get3A_338 = arith.index_cast %mul3A_199 : i32 to index
        %get3A_339 = tpu.vector_load %arg8[%get3A_337, %get3A_338] {strides = array<i32>} : memref<4x2048xf32, #tpu.memory_space<vmem>>, vector<1x16xf32>,
        %get3A_340 = vector.shape_cast %get3A_339 : vector<1x16xf32> to vector<16xf32>
        %get3A_341 = arith.constant 2 : i32
        %get3A_342 = arith.constant 0 : i32
        %get3A_343 = arith.index_cast %get3A_341 : i32 to index
        %get3A_344 = arith.index_cast %get3A_342 : i32 to index
        %get3A_345 = arith.index_cast %mul3A_199 : i32 to index
        %get3A_346 = tpu.vector_load %arg5[%get3A_343, %get3A_344, %get3A_345] {strides = array<i32>} : memref<4x4x2048xf32, #tpu.memory_space<vmem>>, vector<1x1x16xf32>,
        %get3A_347 = vector.shape_cast %get3A_346 : vector<1x1x16xf32> to vector<16xf32>
        %add3A_348 = arith.addf %get3A_347, %get3A_340 : vector<16xf32>
        %swap3A_349 = arith.constant 2 : i32
        %swap3A_350 = arith.constant 0 : i32
        %swap3A_351 = arith.index_cast %swap3A_349 : i32 to index
        %swap3A_352 = arith.index_cast %swap3A_350 : i32 to index
        %swap3A_353 = arith.index_cast %mul3A_199 : i32 to index
        %swap3A_354 = tpu.vector_load %arg5[%swap3A_351, %swap3A_352, %swap3A_353] {strides = array<i32>} : memref<4x4x2048xf32, #tpu.memory_space<vmem>>, vector<1x1x16xf32>,
        %swap3A_355 = vector.shape_cast %swap3A_354 : vector<1x1x16xf32> to vector<16xf32>
        %swap3A_356 = vector.shape_cast %add3A_348 : vector<16xf32> to vector<1x1x16xf32>
        tpu.vector_store %arg5[%swap3A_351, %swap3A_352, %swap3A_353], %swap3A_356 {strides = array<i32>} : memref<4x4x2048xf32, #tpu.memory_space<vmem>>, vector<1x1x16xf32>,
        %get3A_357 = arith.constant 2 : i32
        %get3A_358 = arith.constant 1 : i32
        %get3A_359 = arith.index_cast %get3A_357 : i32 to index
        %get3A_360 = arith.index_cast %get3A_358 : i32 to index
        %get3A_361 = arith.index_cast %mul3A_199 : i32 to index
        %get3A_362 = tpu.vector_load %arg5[%get3A_359, %get3A_360, %get3A_361] {strides = array<i32>} : memref<4x4x2048xf32, #tpu.memory_space<vmem>>, vector<1x1x16xf32>,
        %get3A_363 = vector.shape_cast %get3A_362 : vector<1x1x16xf32> to vector<16xf32>
        %add3A_364 = arith.addf %get3A_363, %get3A_340 : vector<16xf32>
        %swap3A_365 = arith.constant 2 : i32
        %swap3A_366 = arith.constant 1 : i32
        %swap3A_367 = arith.index_cast %swap3A_365 : i32 to index
        %swap3A_368 = arith.index_cast %swap3A_366 : i32 to index
        %swap3A_369 = arith.index_cast %mul3A_199 : i32 to index
        %swap3A_370 = tpu.vector_load %arg5[%swap3A_367, %swap3A_368, %swap3A_369] {strides = array<i32>} : memref<4x4x2048xf32, #tpu.memory_space<vmem>>, vector<1x1x16xf32>,
        %swap3A_371 = vector.shape_cast %swap3A_370 : vector<1x1x16xf32> to vector<16xf32>
        %swap3A_372 = vector.shape_cast %add3A_364 : vector<16xf32> to vector<1x1x16xf32>
        tpu.vector_store %arg5[%swap3A_367, %swap3A_368, %swap3A_369], %swap3A_372 {strides = array<i32>} : memref<4x4x2048xf32, #tpu.memory_space<vmem>>, vector<1x1x16xf32>,
        %get3A_373 = arith.constant 2 : i32
        %get3A_374 = arith.constant 2 : i32
        %get3A_375 = arith.index_cast %get3A_373 : i32 to index
        %get3A_376 = arith.index_cast %get3A_374 : i32 to index
        %get3A_377 = arith.index_cast %mul3A_199 : i32 to index
        %get3A_378 = tpu.vector_load %arg5[%get3A_375, %get3A_376, %get3A_377] {strides = array<i32>} : memref<4x4x2048xf32, #tpu.memory_space<vmem>>, vector<1x1x16xf32>,
        %get3A_379 = vector.shape_cast %get3A_378 : vector<1x1x16xf32> to vector<16xf32>
        %add3A_380 = arith.addf %get3A_379, %get3A_340 : vector<16xf32>
        %swap3A_381 = arith.constant 2 : i32
        %swap3A_382 = arith.constant 2 : i32
        %swap3A_383 = arith.index_cast %swap3A_381 : i32 to index
        %swap3A_384 = arith.index_cast %swap3A_382 : i32 to index
        %swap3A_385 = arith.index_cast %mul3A_199 : i32 to index
        %swap3A_386 = tpu.vector_load %arg5[%swap3A_383, %swap3A_384, %swap3A_385] {strides = array<i32>} : memref<4x4x2048xf32, #tpu.memory_space<vmem>>, vector<1x1x16xf32>,
        %swap3A_387 = vector.shape_cast %swap3A_386 : vector<1x1x16xf32> to vector<16xf32>
        %swap3A_388 = vector.shape_cast %add3A_380 : vector<16xf32> to vector<1x1x16xf32>
        tpu.vector_store %arg5[%swap3A_383, %swap3A_384, %swap3A_385], %swap3A_388 {strides = array<i32>} : memref<4x4x2048xf32, #tpu.memory_space<vmem>>, vector<1x1x16xf32>,
        %get3A_389 = arith.constant 2 : i32
        %get3A_390 = arith.constant 3 : i32
        %get3A_391 = arith.index_cast %get3A_389 : i32 to index
        %get3A_392 = arith.index_cast %get3A_390 : i32 to index
        %get3A_393 = arith.index_cast %mul3A_199 : i32 to index
        %get3A_394 = tpu.vector_load %arg5[%get3A_391, %get3A_392, %get3A_393] {strides = array<i32>} : memref<4x4x2048xf32, #tpu.memory_space<vmem>>, vector<1x1x16xf32>,
        %get3A_395 = vector.shape_cast %get3A_394 : vector<1x1x16xf32> to vector<16xf32>
        %add3A_396 = arith.addf %get3A_395, %get3A_340 : vector<16xf32>
        %swap3A_397 = arith.constant 2 : i32
        %swap3A_398 = arith.constant 3 : i32
        %swap3A_399 = arith.index_cast %swap3A_397 : i32 to index
        %swap3A_400 = arith.index_cast %swap3A_398 : i32 to index
        %swap3A_401 = arith.index_cast %mul3A_199 : i32 to index
        %swap3A_402 = tpu.vector_load %arg5[%swap3A_399, %swap3A_400, %swap3A_401] {strides = array<i32>} : memref<4x4x2048xf32, #tpu.memory_space<vmem>>, vector<1x1x16xf32>,
        %swap3A_403 = vector.shape_cast %swap3A_402 : vector<1x1x16xf32> to vector<16xf32>
        %swap3A_404 = vector.shape_cast %add3A_396 : vector<16xf32> to vector<1x1x16xf32>
        tpu.vector_store %arg5[%swap3A_399, %swap3A_400, %swap3A_401], %swap3A_404 {strides = array<i32>} : memref<4x4x2048xf32, #tpu.memory_space<vmem>>, vector<1x1x16xf32>,
        %get3A_405 = arith.constant 3 : i32
        %get3A_406 = arith.index_cast %get3A_405 : i32 to index
        %get3A_407 = arith.index_cast %mul3A_199 : i32 to index
        %get3A_408 = tpu.vector_load %arg8[%get3A_406, %get3A_407] {strides = array<i32>} : memref<4x2048xf32, #tpu.memory_space<vmem>>, vector<1x16xf32>,
        %get3A_409 = vector.shape_cast %get3A_408 : vector<1x16xf32> to vector<16xf32>
        %get3A_410 = arith.constant 3 : i32
        %get3A_411 = arith.constant 0 : i32
        %get3A_412 = arith.index_cast %get3A_410 : i32 to index
        %get3A_413 = arith.index_cast %get3A_411 : i32 to index
        %get3A_414 = arith.index_cast %mul3A_199 : i32 to index
        %get3A_415 = tpu.vector_load %arg5[%get3A_412, %get3A_413, %get3A_414] {strides = array<i32>} : memref<4x4x2048xf32, #tpu.memory_space<vmem>>, vector<1x1x16xf32>,
        %get3A_416 = vector.shape_cast %get3A_415 : vector<1x1x16xf32> to vector<16xf32>
        %add3A_417 = arith.addf %get3A_416, %get3A_409 : vector<16xf32>
        %swap3A_418 = arith.constant 3 : i32
        %swap3A_419 = arith.constant 0 : i32
        %swap3A_420 = arith.index_cast %swap3A_418 : i32 to index
        %swap3A_421 = arith.index_cast %swap3A_419 : i32 to index
        %swap3A_422 = arith.index_cast %mul3A_199 : i32 to index
        %swap3A_423 = tpu.vector_load %arg5[%swap3A_420, %swap3A_421, %swap3A_422] {strides = array<i32>} : memref<4x4x2048xf32, #tpu.memory_space<vmem>>, vector<1x1x16xf32>,
        %swap3A_424 = vector.shape_cast %swap3A_423 : vector<1x1x16xf32> to vector<16xf32>
        %swap3A_425 = vector.shape_cast %add3A_417 : vector<16xf32> to vector<1x1x16xf32>
        tpu.vector_store %arg5[%swap3A_420, %swap3A_421, %swap3A_422], %swap3A_425 {strides = array<i32>} : memref<4x4x2048xf32, #tpu.memory_space<vmem>>, vector<1x1x16xf32>,
        %get3A_426 = arith.constant 3 : i32
        %get3A_427 = arith.constant 1 : i32
        %get3A_428 = arith.index_cast %get3A_426 : i32 to index
        %get3A_429 = arith.index_cast %get3A_427 : i32 to index
        %get3A_430 = arith.index_cast %mul3A_199 : i32 to index
        %get3A_431 = tpu.vector_load %arg5[%get3A_428, %get3A_429, %get3A_430] {strides = array<i32>} : memref<4x4x2048xf32, #tpu.memory_space<vmem>>, vector<1x1x16xf32>,
        %get3A_432 = vector.shape_cast %get3A_431 : vector<1x1x16xf32> to vector<16xf32>
        %add3A_433 = arith.addf %get3A_432, %get3A_409 : vector<16xf32>
        %swap3A_434 = arith.constant 3 : i32
        %swap3A_435 = arith.constant 1 : i32
        %swap3A_436 = arith.index_cast %swap3A_434 : i32 to index
        %swap3A_437 = arith.index_cast %swap3A_435 : i32 to index
        %swap3A_438 = arith.index_cast %mul3A_199 : i32 to index
        %swap3A_439 = tpu.vector_load %arg5[%swap3A_436, %swap3A_437, %swap3A_438] {strides = array<i32>} : memref<4x4x2048xf32, #tpu.memory_space<vmem>>, vector<1x1x16xf32>,
        %swap3A_440 = vector.shape_cast %swap3A_439 : vector<1x1x16xf32> to vector<16xf32>
        %swap3A_441 = vector.shape_cast %add3A_433 : vector<16xf32> to vector<1x1x16xf32>
        tpu.vector_store %arg5[%swap3A_436, %swap3A_437, %swap3A_438], %swap3A_441 {strides = array<i32>} : memref<4x4x2048xf32, #tpu.memory_space<vmem>>, vector<1x1x16xf32>,
        %get3A_442 = arith.constant 3 : i32
        %get3A_443 = arith.constant 2 : i32
        %get3A_444 = arith.index_cast %get3A_442 : i32 to index
        %get3A_445 = arith.index_cast %get3A_443 : i32 to index
        %get3A_446 = arith.index_cast %mul3A_199 : i32 to index
        %get3A_447 = tpu.vector_load %arg5[%get3A_444, %get3A_445, %get3A_446] {strides = array<i32>} : memref<4x4x2048xf32, #tpu.memory_space<vmem>>, vector<1x1x16xf32>,
        %get3A_448 = vector.shape_cast %get3A_447 : vector<1x1x16xf32> to vector<16xf32>
        %add3A_449 = arith.addf %get3A_448, %get3A_409 : vector<16xf32>
        %swap3A_450 = arith.constant 3 : i32
        %swap3A_451 = arith.constant 2 : i32
        %swap3A_452 = arith.index_cast %swap3A_450 : i32 to index
        %swap3A_453 = arith.index_cast %swap3A_451 : i32 to index
        %swap3A_454 = arith.index_cast %mul3A_199 : i32 to index
        %swap3A_455 = tpu.vector_load %arg5[%swap3A_452, %swap3A_453, %swap3A_454] {strides = array<i32>} : memref<4x4x2048xf32, #tpu.memory_space<vmem>>, vector<1x1x16xf32>,
        %swap3A_456 = vector.shape_cast %swap3A_455 : vector<1x1x16xf32> to vector<16xf32>
        %swap3A_457 = vector.shape_cast %add3A_449 : vector<16xf32> to vector<1x1x16xf32>
        tpu.vector_store %arg5[%swap3A_452, %swap3A_453, %swap3A_454], %swap3A_457 {strides = array<i32>} : memref<4x4x2048xf32, #tpu.memory_space<vmem>>, vector<1x1x16xf32>,
        %get3A_458 = arith.constant 3 : i32
        %get3A_459 = arith.constant 3 : i32
        %get3A_460 = arith.index_cast %get3A_458 : i32 to index
        %get3A_461 = arith.index_cast %get3A_459 : i32 to index
        %get3A_462 = arith.index_cast %mul3A_199 : i32 to index
        %get3A_463 = tpu.vector_load %arg5[%get3A_460, %get3A_461, %get3A_462] {strides = array<i32>} : memref<4x4x2048xf32, #tpu.memory_space<vmem>>, vector<1x1x16xf32>,
        %get3A_464 = vector.shape_cast %get3A_463 : vector<1x1x16xf32> to vector<16xf32>
        %add3A_465 = arith.addf %get3A_464, %get3A_409 : vector<16xf32>
        %swap3A_466 = arith.constant 3 : i32
        %swap3A_467 = arith.constant 3 : i32
        %swap3A_468 = arith.index_cast %swap3A_466 : i32 to index
        %swap3A_469 = arith.index_cast %swap3A_467 : i32 to index
        %swap3A_470 = arith.index_cast %mul3A_199 : i32 to index
        %swap3A_471 = tpu.vector_load %arg5[%swap3A_468, %swap3A_469, %swap3A_470] {strides = array<i32>} : memref<4x4x2048xf32, #tpu.memory_space<vmem>>, vector<1x1x16xf32>,
        %swap3A_472 = vector.shape_cast %swap3A_471 : vector<1x1x16xf32> to vector<16xf32>
        %swap3A_473 = vector.shape_cast %add3A_465 : vector<16xf32> to vector<1x1x16xf32>
        tpu.vector_store %arg5[%swap3A_468, %swap3A_469, %swap3A_470], %swap3A_473 {strides = array<i32>} : memref<4x4x2048xf32, #tpu.memory_space<vmem>>, vector<1x1x16xf32>,
      }
      %scan3A_109 = arith.constant 128 : i32
      %mul3A_110 = arith.constant 4 : i32
      %mul3A_111 = arith.muli %add3A_86, %mul3A_110 : i32
      %add3A_112 = arith.addi %mul3A_2, %mul3A_111 : i32
      %dma_start3A_113 = arith.constant 0 : i32
      %dma_start3A_114 = arith.constant 0 : i32
      %dma_start3A_115 = tpu.memref_slice %arg4[%add3A_112, %dma_start3A_113, %dma_start3A_114] : memref<2048x4x2048xf32, #tpu.memory_space<hbm>> -> memref<4x4x2048xf32, #tpu.memory_space<hbm>>
      %dma_start3A_116 = arith.constant 0 : i32
      %dma_start3A_117 = arith.constant 0 : i32
      %dma_start3A_118 = tpu.memref_slice %arg4[%add3A_112, %dma_start3A_116, %dma_start3A_117] : memref<2048x4x2048xf32, #tpu.memory_space<hbm>> -> memref<4x4x2048xf32, #tpu.memory_space<hbm>>
      tpu.enqueue_dma source(%arg5 : memref<4x4x2048xf32, #tpu.memory_space<vmem>>) target(%dma_start3A_118 : memref<4x4x2048xf32, #tpu.memory_space<hbm>>) target_semaphore(%arg17 : memref<!tpu.dma_semaphore, #tpu.memory_space<semaphore_mem>>)
      %add3A_119 = arith.constant 1 : i32
      %add3A_120 = arith.addi %add3A_84, %add3A_119 : i32
      %add3A_121 = arith.constant 2 : i32
      %add3A_122 = arith.addi %add3A_120, %add3A_121 : i32
      %lt3A_123 = arith.constant 16 : i32
      %lt3A_124 = arith.cmpi slt, %add3A_122, %lt3A_123 : i32
      %convert_element_type3A_125 = arith.extui %lt3A_124 : i1 to i32
      %cond3A_126 = arith.constant 0 : i32
      %cond3A_127 = arith.cmpi ne, %convert_element_type3A_125, %cond3A_126 : i32
      scf.if %cond3A_127 {
        %add3A_193 = arith.constant 2 : i32
        %add3A_194 = arith.addi %add3A_120, %add3A_193 : i32
        %ge3A = arith.constant 3 : i32
        %ge3A_195 = arith.cmpi sge, %add3A_194, %ge3A : i32
        %convert_element_type3A_196 = arith.extui %ge3A_195 : i1 to i32
        %cond3A_197 = arith.constant 0 : i32
        %cond3A_198 = arith.cmpi ne, %convert_element_type3A_196, %cond3A_197 : i32
        scf.if %cond3A_198 {
          %dma_wait3A_214 = arith.constant 0 : i32
          %dma_wait3A_215 = arith.constant 0 : i32
          %dma_wait3A_216 = arith.constant 0 : i32
          %dma_wait3A_217 = tpu.memref_slice %arg4[%dma_wait3A_214, %dma_wait3A_215, %dma_wait3A_216] : memref<2048x4x2048xf32, #tpu.memory_space<hbm>> -> memref<4x4x2048xf32, #tpu.memory_space<hbm>>
          %dma_wait3A_218 = arith.constant 0 : i32
          %dma_wait3A_219 = arith.constant 0 : i32
          %dma_wait3A_220 = arith.constant 0 : i32
          %dma_wait3A_221 = tpu.memref_slice %arg4[%dma_wait3A_218, %dma_wait3A_219, %dma_wait3A_220] : memref<2048x4x2048xf32, #tpu.memory_space<hbm>> -> memref<4x4x2048xf32, #tpu.memory_space<hbm>>
          tpu.wait_dma2 semaphore(%arg17 : memref<!tpu.dma_semaphore, #tpu.memory_space<semaphore_mem>>) src(%arg5 : memref<4x4x2048xf32, #tpu.memory_space<vmem>>) dst(%dma_wait3A_221 : memref<4x4x2048xf32, #tpu.memory_space<hbm>>)
        } else {
        }
        %add3A_199 = arith.constant 2 : i32
        %add3A_200 = arith.addi %add3A_120, %add3A_199 : i32
        %mul3A_201 = arith.constant 4 : i32
        %mul3A_202 = arith.muli %add3A_200, %mul3A_201 : i32
        %add3A_203 = arith.addi %mul3A_2, %mul3A_202 : i32
        %dma_start3A_204 = arith.constant 0 : i32
        %dma_start3A_205 = arith.constant 0 : i32
        %dma_start3A_206 = tpu.memref_slice %arg2[%add3A_203, %dma_start3A_204, %dma_start3A_205] : memref<2048x4x2048xf32, #tpu.memory_space<hbm>> -> memref<4x4x2048xf32, #tpu.memory_space<hbm>>
        %dma_start3A_207 = arith.constant 0 : i32
        %dma_start3A_208 = arith.constant 0 : i32
        %dma_start3A_209 = tpu.memref_slice %arg2[%add3A_203, %dma_start3A_207, %dma_start3A_208] : memref<2048x4x2048xf32, #tpu.memory_space<hbm>> -> memref<4x4x2048xf32, #tpu.memory_space<hbm>>
        tpu.enqueue_dma source(%dma_start3A_209 : memref<4x4x2048xf32, #tpu.memory_space<hbm>>) target(%arg5 : memref<4x4x2048xf32, #tpu.memory_space<vmem>>) target_semaphore(%arg11 : memref<!tpu.dma_semaphore, #tpu.memory_space<semaphore_mem>>)
        %dma_start3A_210 = arith.constant 0 : i32
        %dma_start3A_211 = tpu.memref_slice %arg3[%add3A_203, %dma_start3A_210] : memref<2048x2048xf32, #tpu.memory_space<hbm>> -> memref<4x2048xf32, #tpu.memory_space<hbm>>
        %dma_start3A_212 = arith.constant 0 : i32
        %dma_start3A_213 = tpu.memref_slice %arg3[%add3A_203, %dma_start3A_212] : memref<2048x2048xf32, #tpu.memory_space<hbm>> -> memref<4x2048xf32, #tpu.memory_space<hbm>>
        tpu.enqueue_dma source(%dma_start3A_213 : memref<4x2048xf32, #tpu.memory_space<hbm>>) target(%arg8 : memref<4x2048xf32, #tpu.memory_space<vmem>>) target_semaphore(%arg14 : memref<!tpu.dma_semaphore, #tpu.memory_space<semaphore_mem>>)
      } else {
      }
      %dma_wait3A_128 = arith.constant 0 : i32
      %dma_wait3A_129 = arith.constant 0 : i32
      %dma_wait3A_130 = arith.constant 0 : i32
      %dma_wait3A_131 = tpu.memref_slice %arg2[%dma_wait3A_128, %dma_wait3A_129, %dma_wait3A_130] : memref<2048x4x2048xf32, #tpu.memory_space<hbm>> -> memref<4x4x2048xf32, #tpu.memory_space<hbm>>
      %dma_wait3A_132 = arith.constant 0 : i32
      %dma_wait3A_133 = arith.constant 0 : i32
      %dma_wait3A_134 = arith.constant 0 : i32
      %dma_wait3A_135 = tpu.memref_slice %arg2[%dma_wait3A_132, %dma_wait3A_133, %dma_wait3A_134] : memref<2048x4x2048xf32, #tpu.memory_space<hbm>> -> memref<4x4x2048xf32, #tpu.memory_space<hbm>>
      tpu.wait_dma2 semaphore(%arg12 : memref<!tpu.dma_semaphore, #tpu.memory_space<semaphore_mem>>) src(%dma_wait3A_135 : memref<4x4x2048xf32, #tpu.memory_space<hbm>>) dst(%arg6 : memref<4x4x2048xf32, #tpu.memory_space<vmem>>)
      %dma_wait3A_136 = arith.constant 0 : i32
      %dma_wait3A_137 = arith.constant 0 : i32
      %dma_wait3A_138 = tpu.memref_slice %arg3[%dma_wait3A_136, %dma_wait3A_137] : memref<2048x2048xf32, #tpu.memory_space<hbm>> -> memref<4x2048xf32, #tpu.memory_space<hbm>>
      %dma_wait3A_139 = arith.constant 0 : i32
      %dma_wait3A_140 = arith.constant 0 : i32
      %dma_wait3A_141 = tpu.memref_slice %arg3[%dma_wait3A_139, %dma_wait3A_140] : memref<2048x2048xf32, #tpu.memory_space<hbm>> -> memref<4x2048xf32, #tpu.memory_space<hbm>>
      tpu.wait_dma2 semaphore(%arg15 : memref<!tpu.dma_semaphore, #tpu.memory_space<semaphore_mem>>) src(%dma_wait3A_141 : memref<4x2048xf32, #tpu.memory_space<hbm>>) dst(%arg9 : memref<4x2048xf32, #tpu.memory_space<vmem>>)
      %scan3A_142 = arith.constant 0 : i32
      %scan3A_143 = arith.constant 128 : i32
      %scan3A_144 = arith.addi %scan3A_142, %scan3A_143 : i32
      %scan3A_145 = arith.constant 1 : i32
      scf.for %scan3A_193 = %scan3A_142 to %scan3A_144 step %scan3A_145  : i32 {
        %mul3A_194 = arith.constant 1 : i32
        %mul3A_195 = arith.muli %scan3A_193, %mul3A_194 : i32
        %add3A_196 = arith.constant 0 : i32
        %add3A_197 = arith.addi %add3A_196, %mul3A_195 : i32
        %mul3A_198 = arith.constant 16 : i32
        %mul3A_199 = arith.muli %add3A_197, %mul3A_198 : i32
        %get3A = arith.constant 0 : i32
        %get3A_200 = arith.index_cast %get3A : i32 to index
        %get3A_201 = arith.index_cast %mul3A_199 : i32 to index
        %get3A_202 = tpu.vector_load %arg9[%get3A_200, %get3A_201] {strides = array<i32>} : memref<4x2048xf32, #tpu.memory_space<vmem>>, vector<1x16xf32>,
        %get3A_203 = vector.shape_cast %get3A_202 : vector<1x16xf32> to vector<16xf32>
        %get3A_204 = arith.constant 0 : i32
        %get3A_205 = arith.constant 0 : i32
        %get3A_206 = arith.index_cast %get3A_204 : i32 to index
        %get3A_207 = arith.index_cast %get3A_205 : i32 to index
        %get3A_208 = arith.index_cast %mul3A_199 : i32 to index
        %get3A_209 = tpu.vector_load %arg6[%get3A_206, %get3A_207, %get3A_208] {strides = array<i32>} : memref<4x4x2048xf32, #tpu.memory_space<vmem>>, vector<1x1x16xf32>,
        %get3A_210 = vector.shape_cast %get3A_209 : vector<1x1x16xf32> to vector<16xf32>
        %add3A_211 = arith.addf %get3A_210, %get3A_203 : vector<16xf32>
        %swap3A = arith.constant 0 : i32
        %swap3A_212 = arith.constant 0 : i32
        %swap3A_213 = arith.index_cast %swap3A : i32 to index
        %swap3A_214 = arith.index_cast %swap3A_212 : i32 to index
        %swap3A_215 = arith.index_cast %mul3A_199 : i32 to index
        %swap3A_216 = tpu.vector_load %arg6[%swap3A_213, %swap3A_214, %swap3A_215] {strides = array<i32>} : memref<4x4x2048xf32, #tpu.memory_space<vmem>>, vector<1x1x16xf32>,
        %swap3A_217 = vector.shape_cast %swap3A_216 : vector<1x1x16xf32> to vector<16xf32>
        %swap3A_218 = vector.shape_cast %add3A_211 : vector<16xf32> to vector<1x1x16xf32>
        tpu.vector_store %arg6[%swap3A_213, %swap3A_214, %swap3A_215], %swap3A_218 {strides = array<i32>} : memref<4x4x2048xf32, #tpu.memory_space<vmem>>, vector<1x1x16xf32>,
        %get3A_219 = arith.constant 0 : i32
        %get3A_220 = arith.constant 1 : i32
        %get3A_221 = arith.index_cast %get3A_219 : i32 to index
        %get3A_222 = arith.index_cast %get3A_220 : i32 to index
        %get3A_223 = arith.index_cast %mul3A_199 : i32 to index
        %get3A_224 = tpu.vector_load %arg6[%get3A_221, %get3A_222, %get3A_223] {strides = array<i32>} : memref<4x4x2048xf32, #tpu.memory_space<vmem>>, vector<1x1x16xf32>,
        %get3A_225 = vector.shape_cast %get3A_224 : vector<1x1x16xf32> to vector<16xf32>
        %add3A_226 = arith.addf %get3A_225, %get3A_203 : vector<16xf32>
        %swap3A_227 = arith.constant 0 : i32
        %swap3A_228 = arith.constant 1 : i32
        %swap3A_229 = arith.index_cast %swap3A_227 : i32 to index
        %swap3A_230 = arith.index_cast %swap3A_228 : i32 to index
        %swap3A_231 = arith.index_cast %mul3A_199 : i32 to index
        %swap3A_232 = tpu.vector_load %arg6[%swap3A_229, %swap3A_230, %swap3A_231] {strides = array<i32>} : memref<4x4x2048xf32, #tpu.memory_space<vmem>>, vector<1x1x16xf32>,
        %swap3A_233 = vector.shape_cast %swap3A_232 : vector<1x1x16xf32> to vector<16xf32>
        %swap3A_234 = vector.shape_cast %add3A_226 : vector<16xf32> to vector<1x1x16xf32>
        tpu.vector_store %arg6[%swap3A_229, %swap3A_230, %swap3A_231], %swap3A_234 {strides = array<i32>} : memref<4x4x2048xf32, #tpu.memory_space<vmem>>, vector<1x1x16xf32>,
        %get3A_235 = arith.constant 0 : i32
        %get3A_236 = arith.constant 2 : i32
        %get3A_237 = arith.index_cast %get3A_235 : i32 to index
        %get3A_238 = arith.index_cast %get3A_236 : i32 to index
        %get3A_239 = arith.index_cast %mul3A_199 : i32 to index
        %get3A_240 = tpu.vector_load %arg6[%get3A_237, %get3A_238, %get3A_239] {strides = array<i32>} : memref<4x4x2048xf32, #tpu.memory_space<vmem>>, vector<1x1x16xf32>,
        %get3A_241 = vector.shape_cast %get3A_240 : vector<1x1x16xf32> to vector<16xf32>
        %add3A_242 = arith.addf %get3A_241, %get3A_203 : vector<16xf32>
        %swap3A_243 = arith.constant 0 : i32
        %swap3A_244 = arith.constant 2 : i32
        %swap3A_245 = arith.index_cast %swap3A_243 : i32 to index
        %swap3A_246 = arith.index_cast %swap3A_244 : i32 to index
        %swap3A_247 = arith.index_cast %mul3A_199 : i32 to index
        %swap3A_248 = tpu.vector_load %arg6[%swap3A_245, %swap3A_246, %swap3A_247] {strides = array<i32>} : memref<4x4x2048xf32, #tpu.memory_space<vmem>>, vector<1x1x16xf32>,
        %swap3A_249 = vector.shape_cast %swap3A_248 : vector<1x1x16xf32> to vector<16xf32>
        %swap3A_250 = vector.shape_cast %add3A_242 : vector<16xf32> to vector<1x1x16xf32>
        tpu.vector_store %arg6[%swap3A_245, %swap3A_246, %swap3A_247], %swap3A_250 {strides = array<i32>} : memref<4x4x2048xf32, #tpu.memory_space<vmem>>, vector<1x1x16xf32>,
        %get3A_251 = arith.constant 0 : i32
        %get3A_252 = arith.constant 3 : i32
        %get3A_253 = arith.index_cast %get3A_251 : i32 to index
        %get3A_254 = arith.index_cast %get3A_252 : i32 to index
        %get3A_255 = arith.index_cast %mul3A_199 : i32 to index
        %get3A_256 = tpu.vector_load %arg6[%get3A_253, %get3A_254, %get3A_255] {strides = array<i32>} : memref<4x4x2048xf32, #tpu.memory_space<vmem>>, vector<1x1x16xf32>,
        %get3A_257 = vector.shape_cast %get3A_256 : vector<1x1x16xf32> to vector<16xf32>
        %add3A_258 = arith.addf %get3A_257, %get3A_203 : vector<16xf32>
        %swap3A_259 = arith.constant 0 : i32
        %swap3A_260 = arith.constant 3 : i32
        %swap3A_261 = arith.index_cast %swap3A_259 : i32 to index
        %swap3A_262 = arith.index_cast %swap3A_260 : i32 to index
        %swap3A_263 = arith.index_cast %mul3A_199 : i32 to index
        %swap3A_264 = tpu.vector_load %arg6[%swap3A_261, %swap3A_262, %swap3A_263] {strides = array<i32>} : memref<4x4x2048xf32, #tpu.memory_space<vmem>>, vector<1x1x16xf32>,
        %swap3A_265 = vector.shape_cast %swap3A_264 : vector<1x1x16xf32> to vector<16xf32>
        %swap3A_266 = vector.shape_cast %add3A_258 : vector<16xf32> to vector<1x1x16xf32>
        tpu.vector_store %arg6[%swap3A_261, %swap3A_262, %swap3A_263], %swap3A_266 {strides = array<i32>} : memref<4x4x2048xf32, #tpu.memory_space<vmem>>, vector<1x1x16xf32>,
        %get3A_267 = arith.constant 1 : i32
        %get3A_268 = arith.index_cast %get3A_267 : i32 to index
        %get3A_269 = arith.index_cast %mul3A_199 : i32 to index
        %get3A_270 = tpu.vector_load %arg9[%get3A_268, %get3A_269] {strides = array<i32>} : memref<4x2048xf32, #tpu.memory_space<vmem>>, vector<1x16xf32>,
        %get3A_271 = vector.shape_cast %get3A_270 : vector<1x16xf32> to vector<16xf32>
        %get3A_272 = arith.constant 1 : i32
        %get3A_273 = arith.constant 0 : i32
        %get3A_274 = arith.index_cast %get3A_272 : i32 to index
        %get3A_275 = arith.index_cast %get3A_273 : i32 to index
        %get3A_276 = arith.index_cast %mul3A_199 : i32 to index
        %get3A_277 = tpu.vector_load %arg6[%get3A_274, %get3A_275, %get3A_276] {strides = array<i32>} : memref<4x4x2048xf32, #tpu.memory_space<vmem>>, vector<1x1x16xf32>,
        %get3A_278 = vector.shape_cast %get3A_277 : vector<1x1x16xf32> to vector<16xf32>
        %add3A_279 = arith.addf %get3A_278, %get3A_271 : vector<16xf32>
        %swap3A_280 = arith.constant 1 : i32
        %swap3A_281 = arith.constant 0 : i32
        %swap3A_282 = arith.index_cast %swap3A_280 : i32 to index
        %swap3A_283 = arith.index_cast %swap3A_281 : i32 to index
        %swap3A_284 = arith.index_cast %mul3A_199 : i32 to index
        %swap3A_285 = tpu.vector_load %arg6[%swap3A_282, %swap3A_283, %swap3A_284] {strides = array<i32>} : memref<4x4x2048xf32, #tpu.memory_space<vmem>>, vector<1x1x16xf32>,
        %swap3A_286 = vector.shape_cast %swap3A_285 : vector<1x1x16xf32> to vector<16xf32>
        %swap3A_287 = vector.shape_cast %add3A_279 : vector<16xf32> to vector<1x1x16xf32>
        tpu.vector_store %arg6[%swap3A_282, %swap3A_283, %swap3A_284], %swap3A_287 {strides = array<i32>} : memref<4x4x2048xf32, #tpu.memory_space<vmem>>, vector<1x1x16xf32>,
        %get3A_288 = arith.constant 1 : i32
        %get3A_289 = arith.constant 1 : i32
        %get3A_290 = arith.index_cast %get3A_288 : i32 to index
        %get3A_291 = arith.index_cast %get3A_289 : i32 to index
        %get3A_292 = arith.index_cast %mul3A_199 : i32 to index
        %get3A_293 = tpu.vector_load %arg6[%get3A_290, %get3A_291, %get3A_292] {strides = array<i32>} : memref<4x4x2048xf32, #tpu.memory_space<vmem>>, vector<1x1x16xf32>,
        %get3A_294 = vector.shape_cast %get3A_293 : vector<1x1x16xf32> to vector<16xf32>
        %add3A_295 = arith.addf %get3A_294, %get3A_271 : vector<16xf32>
        %swap3A_296 = arith.constant 1 : i32
        %swap3A_297 = arith.constant 1 : i32
        %swap3A_298 = arith.index_cast %swap3A_296 : i32 to index
        %swap3A_299 = arith.index_cast %swap3A_297 : i32 to index
        %swap3A_300 = arith.index_cast %mul3A_199 : i32 to index
        %swap3A_301 = tpu.vector_load %arg6[%swap3A_298, %swap3A_299, %swap3A_300] {strides = array<i32>} : memref<4x4x2048xf32, #tpu.memory_space<vmem>>, vector<1x1x16xf32>,
        %swap3A_302 = vector.shape_cast %swap3A_301 : vector<1x1x16xf32> to vector<16xf32>
        %swap3A_303 = vector.shape_cast %add3A_295 : vector<16xf32> to vector<1x1x16xf32>
        tpu.vector_store %arg6[%swap3A_298, %swap3A_299, %swap3A_300], %swap3A_303 {strides = array<i32>} : memref<4x4x2048xf32, #tpu.memory_space<vmem>>, vector<1x1x16xf32>,
        %get3A_304 = arith.constant 1 : i32
        %get3A_305 = arith.constant 2 : i32
        %get3A_306 = arith.index_cast %get3A_304 : i32 to index
        %get3A_307 = arith.index_cast %get3A_305 : i32 to index
        %get3A_308 = arith.index_cast %mul3A_199 : i32 to index
        %get3A_309 = tpu.vector_load %arg6[%get3A_306, %get3A_307, %get3A_308] {strides = array<i32>} : memref<4x4x2048xf32, #tpu.memory_space<vmem>>, vector<1x1x16xf32>,
        %get3A_310 = vector.shape_cast %get3A_309 : vector<1x1x16xf32> to vector<16xf32>
        %add3A_311 = arith.addf %get3A_310, %get3A_271 : vector<16xf32>
        %swap3A_312 = arith.constant 1 : i32
        %swap3A_313 = arith.constant 2 : i32
        %swap3A_314 = arith.index_cast %swap3A_312 : i32 to index
        %swap3A_315 = arith.index_cast %swap3A_313 : i32 to index
        %swap3A_316 = arith.index_cast %mul3A_199 : i32 to index
        %swap3A_317 = tpu.vector_load %arg6[%swap3A_314, %swap3A_315, %swap3A_316] {strides = array<i32>} : memref<4x4x2048xf32, #tpu.memory_space<vmem>>, vector<1x1x16xf32>,
        %swap3A_318 = vector.shape_cast %swap3A_317 : vector<1x1x16xf32> to vector<16xf32>
        %swap3A_319 = vector.shape_cast %add3A_311 : vector<16xf32> to vector<1x1x16xf32>
        tpu.vector_store %arg6[%swap3A_314, %swap3A_315, %swap3A_316], %swap3A_319 {strides = array<i32>} : memref<4x4x2048xf32, #tpu.memory_space<vmem>>, vector<1x1x16xf32>,
        %get3A_320 = arith.constant 1 : i32
        %get3A_321 = arith.constant 3 : i32
        %get3A_322 = arith.index_cast %get3A_320 : i32 to index
        %get3A_323 = arith.index_cast %get3A_321 : i32 to index
        %get3A_324 = arith.index_cast %mul3A_199 : i32 to index
        %get3A_325 = tpu.vector_load %arg6[%get3A_322, %get3A_323, %get3A_324] {strides = array<i32>} : memref<4x4x2048xf32, #tpu.memory_space<vmem>>, vector<1x1x16xf32>,
        %get3A_326 = vector.shape_cast %get3A_325 : vector<1x1x16xf32> to vector<16xf32>
        %add3A_327 = arith.addf %get3A_326, %get3A_271 : vector<16xf32>
        %swap3A_328 = arith.constant 1 : i32
        %swap3A_329 = arith.constant 3 : i32
        %swap3A_330 = arith.index_cast %swap3A_328 : i32 to index
        %swap3A_331 = arith.index_cast %swap3A_329 : i32 to index
        %swap3A_332 = arith.index_cast %mul3A_199 : i32 to index
        %swap3A_333 = tpu.vector_load %arg6[%swap3A_330, %swap3A_331, %swap3A_332] {strides = array<i32>} : memref<4x4x2048xf32, #tpu.memory_space<vmem>>, vector<1x1x16xf32>,
        %swap3A_334 = vector.shape_cast %swap3A_333 : vector<1x1x16xf32> to vector<16xf32>
        %swap3A_335 = vector.shape_cast %add3A_327 : vector<16xf32> to vector<1x1x16xf32>
        tpu.vector_store %arg6[%swap3A_330, %swap3A_331, %swap3A_332], %swap3A_335 {strides = array<i32>} : memref<4x4x2048xf32, #tpu.memory_space<vmem>>, vector<1x1x16xf32>,
        %get3A_336 = arith.constant 2 : i32
        %get3A_337 = arith.index_cast %get3A_336 : i32 to index
        %get3A_338 = arith.index_cast %mul3A_199 : i32 to index
        %get3A_339 = tpu.vector_load %arg9[%get3A_337, %get3A_338] {strides = array<i32>} : memref<4x2048xf32, #tpu.memory_space<vmem>>, vector<1x16xf32>,
        %get3A_340 = vector.shape_cast %get3A_339 : vector<1x16xf32> to vector<16xf32>
        %get3A_341 = arith.constant 2 : i32
        %get3A_342 = arith.constant 0 : i32
        %get3A_343 = arith.index_cast %get3A_341 : i32 to index
        %get3A_344 = arith.index_cast %get3A_342 : i32 to index
        %get3A_345 = arith.index_cast %mul3A_199 : i32 to index
        %get3A_346 = tpu.vector_load %arg6[%get3A_343, %get3A_344, %get3A_345] {strides = array<i32>} : memref<4x4x2048xf32, #tpu.memory_space<vmem>>, vector<1x1x16xf32>,
        %get3A_347 = vector.shape_cast %get3A_346 : vector<1x1x16xf32> to vector<16xf32>
        %add3A_348 = arith.addf %get3A_347, %get3A_340 : vector<16xf32>
        %swap3A_349 = arith.constant 2 : i32
        %swap3A_350 = arith.constant 0 : i32
        %swap3A_351 = arith.index_cast %swap3A_349 : i32 to index
        %swap3A_352 = arith.index_cast %swap3A_350 : i32 to index
        %swap3A_353 = arith.index_cast %mul3A_199 : i32 to index
        %swap3A_354 = tpu.vector_load %arg6[%swap3A_351, %swap3A_352, %swap3A_353] {strides = array<i32>} : memref<4x4x2048xf32, #tpu.memory_space<vmem>>, vector<1x1x16xf32>,
        %swap3A_355 = vector.shape_cast %swap3A_354 : vector<1x1x16xf32> to vector<16xf32>
        %swap3A_356 = vector.shape_cast %add3A_348 : vector<16xf32> to vector<1x1x16xf32>
        tpu.vector_store %arg6[%swap3A_351, %swap3A_352, %swap3A_353], %swap3A_356 {strides = array<i32>} : memref<4x4x2048xf32, #tpu.memory_space<vmem>>, vector<1x1x16xf32>,
        %get3A_357 = arith.constant 2 : i32
        %get3A_358 = arith.constant 1 : i32
        %get3A_359 = arith.index_cast %get3A_357 : i32 to index
        %get3A_360 = arith.index_cast %get3A_358 : i32 to index
        %get3A_361 = arith.index_cast %mul3A_199 : i32 to index
        %get3A_362 = tpu.vector_load %arg6[%get3A_359, %get3A_360, %get3A_361] {strides = array<i32>} : memref<4x4x2048xf32, #tpu.memory_space<vmem>>, vector<1x1x16xf32>,
        %get3A_363 = vector.shape_cast %get3A_362 : vector<1x1x16xf32> to vector<16xf32>
        %add3A_364 = arith.addf %get3A_363, %get3A_340 : vector<16xf32>
        %swap3A_365 = arith.constant 2 : i32
        %swap3A_366 = arith.constant 1 : i32
        %swap3A_367 = arith.index_cast %swap3A_365 : i32 to index
        %swap3A_368 = arith.index_cast %swap3A_366 : i32 to index
        %swap3A_369 = arith.index_cast %mul3A_199 : i32 to index
        %swap3A_370 = tpu.vector_load %arg6[%swap3A_367, %swap3A_368, %swap3A_369] {strides = array<i32>} : memref<4x4x2048xf32, #tpu.memory_space<vmem>>, vector<1x1x16xf32>,
        %swap3A_371 = vector.shape_cast %swap3A_370 : vector<1x1x16xf32> to vector<16xf32>
        %swap3A_372 = vector.shape_cast %add3A_364 : vector<16xf32> to vector<1x1x16xf32>
        tpu.vector_store %arg6[%swap3A_367, %swap3A_368, %swap3A_369], %swap3A_372 {strides = array<i32>} : memref<4x4x2048xf32, #tpu.memory_space<vmem>>, vector<1x1x16xf32>,
        %get3A_373 = arith.constant 2 : i32
        %get3A_374 = arith.constant 2 : i32
        %get3A_375 = arith.index_cast %get3A_373 : i32 to index
        %get3A_376 = arith.index_cast %get3A_374 : i32 to index
        %get3A_377 = arith.index_cast %mul3A_199 : i32 to index
        %get3A_378 = tpu.vector_load %arg6[%get3A_375, %get3A_376, %get3A_377] {strides = array<i32>} : memref<4x4x2048xf32, #tpu.memory_space<vmem>>, vector<1x1x16xf32>,
        %get3A_379 = vector.shape_cast %get3A_378 : vector<1x1x16xf32> to vector<16xf32>
        %add3A_380 = arith.addf %get3A_379, %get3A_340 : vector<16xf32>
        %swap3A_381 = arith.constant 2 : i32
        %swap3A_382 = arith.constant 2 : i32
        %swap3A_383 = arith.index_cast %swap3A_381 : i32 to index
        %swap3A_384 = arith.index_cast %swap3A_382 : i32 to index
        %swap3A_385 = arith.index_cast %mul3A_199 : i32 to index
        %swap3A_386 = tpu.vector_load %arg6[%swap3A_383, %swap3A_384, %swap3A_385] {strides = array<i32>} : memref<4x4x2048xf32, #tpu.memory_space<vmem>>, vector<1x1x16xf32>,
        %swap3A_387 = vector.shape_cast %swap3A_386 : vector<1x1x16xf32> to vector<16xf32>
        %swap3A_388 = vector.shape_cast %add3A_380 : vector<16xf32> to vector<1x1x16xf32>
        tpu.vector_store %arg6[%swap3A_383, %swap3A_384, %swap3A_385], %swap3A_388 {strides = array<i32>} : memref<4x4x2048xf32, #tpu.memory_space<vmem>>, vector<1x1x16xf32>,
        %get3A_389 = arith.constant 2 : i32
        %get3A_390 = arith.constant 3 : i32
        %get3A_391 = arith.index_cast %get3A_389 : i32 to index
        %get3A_392 = arith.index_cast %get3A_390 : i32 to index
        %get3A_393 = arith.index_cast %mul3A_199 : i32 to index
        %get3A_394 = tpu.vector_load %arg6[%get3A_391, %get3A_392, %get3A_393] {strides = array<i32>} : memref<4x4x2048xf32, #tpu.memory_space<vmem>>, vector<1x1x16xf32>,
        %get3A_395 = vector.shape_cast %get3A_394 : vector<1x1x16xf32> to vector<16xf32>
        %add3A_396 = arith.addf %get3A_395, %get3A_340 : vector<16xf32>
        %swap3A_397 = arith.constant 2 : i32
        %swap3A_398 = arith.constant 3 : i32
        %swap3A_399 = arith.index_cast %swap3A_397 : i32 to index
        %swap3A_400 = arith.index_cast %swap3A_398 : i32 to index
        %swap3A_401 = arith.index_cast %mul3A_199 : i32 to index
        %swap3A_402 = tpu.vector_load %arg6[%swap3A_399, %swap3A_400, %swap3A_401] {strides = array<i32>} : memref<4x4x2048xf32, #tpu.memory_space<vmem>>, vector<1x1x16xf32>,
        %swap3A_403 = vector.shape_cast %swap3A_402 : vector<1x1x16xf32> to vector<16xf32>
        %swap3A_404 = vector.shape_cast %add3A_396 : vector<16xf32> to vector<1x1x16xf32>
        tpu.vector_store %arg6[%swap3A_399, %swap3A_400, %swap3A_401], %swap3A_404 {strides = array<i32>} : memref<4x4x2048xf32, #tpu.memory_space<vmem>>, vector<1x1x16xf32>,
        %get3A_405 = arith.constant 3 : i32
        %get3A_406 = arith.index_cast %get3A_405 : i32 to index
        %get3A_407 = arith.index_cast %mul3A_199 : i32 to index
        %get3A_408 = tpu.vector_load %arg9[%get3A_406, %get3A_407] {strides = array<i32>} : memref<4x2048xf32, #tpu.memory_space<vmem>>, vector<1x16xf32>,
        %get3A_409 = vector.shape_cast %get3A_408 : vector<1x16xf32> to vector<16xf32>
        %get3A_410 = arith.constant 3 : i32
        %get3A_411 = arith.constant 0 : i32
        %get3A_412 = arith.index_cast %get3A_410 : i32 to index
        %get3A_413 = arith.index_cast %get3A_411 : i32 to index
        %get3A_414 = arith.index_cast %mul3A_199 : i32 to index
        %get3A_415 = tpu.vector_load %arg6[%get3A_412, %get3A_413, %get3A_414] {strides = array<i32>} : memref<4x4x2048xf32, #tpu.memory_space<vmem>>, vector<1x1x16xf32>,
        %get3A_416 = vector.shape_cast %get3A_415 : vector<1x1x16xf32> to vector<16xf32>
        %add3A_417 = arith.addf %get3A_416, %get3A_409 : vector<16xf32>
        %swap3A_418 = arith.constant 3 : i32
        %swap3A_419 = arith.constant 0 : i32
        %swap3A_420 = arith.index_cast %swap3A_418 : i32 to index
        %swap3A_421 = arith.index_cast %swap3A_419 : i32 to index
        %swap3A_422 = arith.index_cast %mul3A_199 : i32 to index
        %swap3A_423 = tpu.vector_load %arg6[%swap3A_420, %swap3A_421, %swap3A_422] {strides = array<i32>} : memref<4x4x2048xf32, #tpu.memory_space<vmem>>, vector<1x1x16xf32>,
        %swap3A_424 = vector.shape_cast %swap3A_423 : vector<1x1x16xf32> to vector<16xf32>
        %swap3A_425 = vector.shape_cast %add3A_417 : vector<16xf32> to vector<1x1x16xf32>
        tpu.vector_store %arg6[%swap3A_420, %swap3A_421, %swap3A_422], %swap3A_425 {strides = array<i32>} : memref<4x4x2048xf32, #tpu.memory_space<vmem>>, vector<1x1x16xf32>,
        %get3A_426 = arith.constant 3 : i32
        %get3A_427 = arith.constant 1 : i32
        %get3A_428 = arith.index_cast %get3A_426 : i32 to index
        %get3A_429 = arith.index_cast %get3A_427 : i32 to index
        %get3A_430 = arith.index_cast %mul3A_199 : i32 to index
        %get3A_431 = tpu.vector_load %arg6[%get3A_428, %get3A_429, %get3A_430] {strides = array<i32>} : memref<4x4x2048xf32, #tpu.memory_space<vmem>>, vector<1x1x16xf32>,
        %get3A_432 = vector.shape_cast %get3A_431 : vector<1x1x16xf32> to vector<16xf32>
        %add3A_433 = arith.addf %get3A_432, %get3A_409 : vector<16xf32>
        %swap3A_434 = arith.constant 3 : i32
        %swap3A_435 = arith.constant 1 : i32
        %swap3A_436 = arith.index_cast %swap3A_434 : i32 to index
        %swap3A_437 = arith.index_cast %swap3A_435 : i32 to index
        %swap3A_438 = arith.index_cast %mul3A_199 : i32 to index
        %swap3A_439 = tpu.vector_load %arg6[%swap3A_436, %swap3A_437, %swap3A_438] {strides = array<i32>} : memref<4x4x2048xf32, #tpu.memory_space<vmem>>, vector<1x1x16xf32>,
        %swap3A_440 = vector.shape_cast %swap3A_439 : vector<1x1x16xf32> to vector<16xf32>
        %swap3A_441 = vector.shape_cast %add3A_433 : vector<16xf32> to vector<1x1x16xf32>
        tpu.vector_store %arg6[%swap3A_436, %swap3A_437, %swap3A_438], %swap3A_441 {strides = array<i32>} : memref<4x4x2048xf32, #tpu.memory_space<vmem>>, vector<1x1x16xf32>,
        %get3A_442 = arith.constant 3 : i32
        %get3A_443 = arith.constant 2 : i32
        %get3A_444 = arith.index_cast %get3A_442 : i32 to index
        %get3A_445 = arith.index_cast %get3A_443 : i32 to index
        %get3A_446 = arith.index_cast %mul3A_199 : i32 to index
        %get3A_447 = tpu.vector_load %arg6[%get3A_444, %get3A_445, %get3A_446] {strides = array<i32>} : memref<4x4x2048xf32, #tpu.memory_space<vmem>>, vector<1x1x16xf32>,
        %get3A_448 = vector.shape_cast %get3A_447 : vector<1x1x16xf32> to vector<16xf32>
        %add3A_449 = arith.addf %get3A_448, %get3A_409 : vector<16xf32>
        %swap3A_450 = arith.constant 3 : i32
        %swap3A_451 = arith.constant 2 : i32
        %swap3A_452 = arith.index_cast %swap3A_450 : i32 to index
        %swap3A_453 = arith.index_cast %swap3A_451 : i32 to index
        %swap3A_454 = arith.index_cast %mul3A_199 : i32 to index
        %swap3A_455 = tpu.vector_load %arg6[%swap3A_452, %swap3A_453, %swap3A_454] {strides = array<i32>} : memref<4x4x2048xf32, #tpu.memory_space<vmem>>, vector<1x1x16xf32>,
        %swap3A_456 = vector.shape_cast %swap3A_455 : vector<1x1x16xf32> to vector<16xf32>
        %swap3A_457 = vector.shape_cast %add3A_449 : vector<16xf32> to vector<1x1x16xf32>
        tpu.vector_store %arg6[%swap3A_452, %swap3A_453, %swap3A_454], %swap3A_457 {strides = array<i32>} : memref<4x4x2048xf32, #tpu.memory_space<vmem>>, vector<1x1x16xf32>,
        %get3A_458 = arith.constant 3 : i32
        %get3A_459 = arith.constant 3 : i32
        %get3A_460 = arith.index_cast %get3A_458 : i32 to index
        %get3A_461 = arith.index_cast %get3A_459 : i32 to index
        %get3A_462 = arith.index_cast %mul3A_199 : i32 to index
        %get3A_463 = tpu.vector_load %arg6[%get3A_460, %get3A_461, %get3A_462] {strides = array<i32>} : memref<4x4x2048xf32, #tpu.memory_space<vmem>>, vector<1x1x16xf32>,
        %get3A_464 = vector.shape_cast %get3A_463 : vector<1x1x16xf32> to vector<16xf32>
        %add3A_465 = arith.addf %get3A_464, %get3A_409 : vector<16xf32>
        %swap3A_466 = arith.constant 3 : i32
        %swap3A_467 = arith.constant 3 : i32
        %swap3A_468 = arith.index_cast %swap3A_466 : i32 to index
        %swap3A_469 = arith.index_cast %swap3A_467 : i32 to index
        %swap3A_470 = arith.index_cast %mul3A_199 : i32 to index
        %swap3A_471 = tpu.vector_load %arg6[%swap3A_468, %swap3A_469, %swap3A_470] {strides = array<i32>} : memref<4x4x2048xf32, #tpu.memory_space<vmem>>, vector<1x1x16xf32>,
        %swap3A_472 = vector.shape_cast %swap3A_471 : vector<1x1x16xf32> to vector<16xf32>
        %swap3A_473 = vector.shape_cast %add3A_465 : vector<16xf32> to vector<1x1x16xf32>
        tpu.vector_store %arg6[%swap3A_468, %swap3A_469, %swap3A_470], %swap3A_473 {strides = array<i32>} : memref<4x4x2048xf32, #tpu.memory_space<vmem>>, vector<1x1x16xf32>,
      }
      %scan3A_146 = arith.constant 128 : i32
      %mul3A_147 = arith.constant 4 : i32
      %mul3A_148 = arith.muli %add3A_120, %mul3A_147 : i32
      %add3A_149 = arith.addi %mul3A_2, %mul3A_148 : i32
      %dma_start3A_150 = arith.constant 0 : i32
      %dma_start3A_151 = arith.constant 0 : i32
      %dma_start3A_152 = tpu.memref_slice %arg4[%add3A_149, %dma_start3A_150, %dma_start3A_151] : memref<2048x4x2048xf32, #tpu.memory_space<hbm>> -> memref<4x4x2048xf32, #tpu.memory_space<hbm>>
      %dma_start3A_153 = arith.constant 0 : i32
      %dma_start3A_154 = arith.constant 0 : i32
      %dma_start3A_155 = tpu.memref_slice %arg4[%add3A_149, %dma_start3A_153, %dma_start3A_154] : memref<2048x4x2048xf32, #tpu.memory_space<hbm>> -> memref<4x4x2048xf32, #tpu.memory_space<hbm>>
      tpu.enqueue_dma source(%arg6 : memref<4x4x2048xf32, #tpu.memory_space<vmem>>) target(%dma_start3A_155 : memref<4x4x2048xf32, #tpu.memory_space<hbm>>) target_semaphore(%arg18 : memref<!tpu.dma_semaphore, #tpu.memory_space<semaphore_mem>>)
      %add3A_156 = arith.constant 2 : i32
      %add3A_157 = arith.addi %add3A_84, %add3A_156 : i32
      %add3A_158 = arith.constant 2 : i32
      %add3A_159 = arith.addi %add3A_157, %add3A_158 : i32
      %lt3A_160 = arith.constant 16 : i32
      %lt3A_161 = arith.cmpi slt, %add3A_159, %lt3A_160 : i32
      %convert_element_type3A_162 = arith.extui %lt3A_161 : i1 to i32
      %cond3A_163 = arith.constant 0 : i32
      %cond3A_164 = arith.cmpi ne, %convert_element_type3A_162, %cond3A_163 : i32
      scf.if %cond3A_164 {
        %add3A_193 = arith.constant 2 : i32
        %add3A_194 = arith.addi %add3A_157, %add3A_193 : i32
        %ge3A = arith.constant 3 : i32
        %ge3A_195 = arith.cmpi sge, %add3A_194, %ge3A : i32
        %convert_element_type3A_196 = arith.extui %ge3A_195 : i1 to i32
        %cond3A_197 = arith.constant 0 : i32
        %cond3A_198 = arith.cmpi ne, %convert_element_type3A_196, %cond3A_197 : i32
        scf.if %cond3A_198 {
          %dma_wait3A_214 = arith.constant 0 : i32
          %dma_wait3A_215 = arith.constant 0 : i32
          %dma_wait3A_216 = arith.constant 0 : i32
          %dma_wait3A_217 = tpu.memref_slice %arg4[%dma_wait3A_214, %dma_wait3A_215, %dma_wait3A_216] : memref<2048x4x2048xf32, #tpu.memory_space<hbm>> -> memref<4x4x2048xf32, #tpu.memory_space<hbm>>
          %dma_wait3A_218 = arith.constant 0 : i32
          %dma_wait3A_219 = arith.constant 0 : i32
          %dma_wait3A_220 = arith.constant 0 : i32
          %dma_wait3A_221 = tpu.memref_slice %arg4[%dma_wait3A_218, %dma_wait3A_219, %dma_wait3A_220] : memref<2048x4x2048xf32, #tpu.memory_space<hbm>> -> memref<4x4x2048xf32, #tpu.memory_space<hbm>>
          tpu.wait_dma2 semaphore(%arg18 : memref<!tpu.dma_semaphore, #tpu.memory_space<semaphore_mem>>) src(%arg6 : memref<4x4x2048xf32, #tpu.memory_space<vmem>>) dst(%dma_wait3A_221 : memref<4x4x2048xf32, #tpu.memory_space<hbm>>)
        } else {
        }
        %add3A_199 = arith.constant 2 : i32
        %add3A_200 = arith.addi %add3A_157, %add3A_199 : i32
        %mul3A_201 = arith.constant 4 : i32
        %mul3A_202 = arith.muli %add3A_200, %mul3A_201 : i32
        %add3A_203 = arith.addi %mul3A_2, %mul3A_202 : i32
        %dma_start3A_204 = arith.constant 0 : i32
        %dma_start3A_205 = arith.constant 0 : i32
        %dma_start3A_206 = tpu.memref_slice %arg2[%add3A_203, %dma_start3A_204, %dma_start3A_205] : memref<2048x4x2048xf32, #tpu.memory_space<hbm>> -> memref<4x4x2048xf32, #tpu.memory_space<hbm>>
        %dma_start3A_207 = arith.constant 0 : i32
        %dma_start3A_208 = arith.constant 0 : i32
        %dma_start3A_209 = tpu.memref_slice %arg2[%add3A_203, %dma_start3A_207, %dma_start3A_208] : memref<2048x4x2048xf32, #tpu.memory_space<hbm>> -> memref<4x4x2048xf32, #tpu.memory_space<hbm>>
        tpu.enqueue_dma source(%dma_start3A_209 : memref<4x4x2048xf32, #tpu.memory_space<hbm>>) target(%arg6 : memref<4x4x2048xf32, #tpu.memory_space<vmem>>) target_semaphore(%arg12 : memref<!tpu.dma_semaphore, #tpu.memory_space<semaphore_mem>>)
        %dma_start3A_210 = arith.constant 0 : i32
        %dma_start3A_211 = tpu.memref_slice %arg3[%add3A_203, %dma_start3A_210] : memref<2048x2048xf32, #tpu.memory_space<hbm>> -> memref<4x2048xf32, #tpu.memory_space<hbm>>
        %dma_start3A_212 = arith.constant 0 : i32
        %dma_start3A_213 = tpu.memref_slice %arg3[%add3A_203, %dma_start3A_212] : memref<2048x2048xf32, #tpu.memory_space<hbm>> -> memref<4x2048xf32, #tpu.memory_space<hbm>>
        tpu.enqueue_dma source(%dma_start3A_213 : memref<4x2048xf32, #tpu.memory_space<hbm>>) target(%arg9 : memref<4x2048xf32, #tpu.memory_space<vmem>>) target_semaphore(%arg15 : memref<!tpu.dma_semaphore, #tpu.memory_space<semaphore_mem>>)
      } else {
      }
      %dma_wait3A_165 = arith.constant 0 : i32
      %dma_wait3A_166 = arith.constant 0 : i32
      %dma_wait3A_167 = arith.constant 0 : i32
      %dma_wait3A_168 = tpu.memref_slice %arg2[%dma_wait3A_165, %dma_wait3A_166, %dma_wait3A_167] : memref<2048x4x2048xf32, #tpu.memory_space<hbm>> -> memref<4x4x2048xf32, #tpu.memory_space<hbm>>
      %dma_wait3A_169 = arith.constant 0 : i32
      %dma_wait3A_170 = arith.constant 0 : i32
      %dma_wait3A_171 = arith.constant 0 : i32
      %dma_wait3A_172 = tpu.memref_slice %arg2[%dma_wait3A_169, %dma_wait3A_170, %dma_wait3A_171] : memref<2048x4x2048xf32, #tpu.memory_space<hbm>> -> memref<4x4x2048xf32, #tpu.memory_space<hbm>>
      tpu.wait_dma2 semaphore(%arg13 : memref<!tpu.dma_semaphore, #tpu.memory_space<semaphore_mem>>) src(%dma_wait3A_172 : memref<4x4x2048xf32, #tpu.memory_space<hbm>>) dst(%arg7 : memref<4x4x2048xf32, #tpu.memory_space<vmem>>)
      %dma_wait3A_173 = arith.constant 0 : i32
      %dma_wait3A_174 = arith.constant 0 : i32
      %dma_wait3A_175 = tpu.memref_slice %arg3[%dma_wait3A_173, %dma_wait3A_174] : memref<2048x2048xf32, #tpu.memory_space<hbm>> -> memref<4x2048xf32, #tpu.memory_space<hbm>>
      %dma_wait3A_176 = arith.constant 0 : i32
      %dma_wait3A_177 = arith.constant 0 : i32
      %dma_wait3A_178 = tpu.memref_slice %arg3[%dma_wait3A_176, %dma_wait3A_177] : memref<2048x2048xf32, #tpu.memory_space<hbm>> -> memref<4x2048xf32, #tpu.memory_space<hbm>>
      tpu.wait_dma2 semaphore(%arg16 : memref<!tpu.dma_semaphore, #tpu.memory_space<semaphore_mem>>) src(%dma_wait3A_178 : memref<4x2048xf32, #tpu.memory_space<hbm>>) dst(%arg10 : memref<4x2048xf32, #tpu.memory_space<vmem>>)
      %scan3A_179 = arith.constant 0 : i32
      %scan3A_180 = arith.constant 128 : i32
      %scan3A_181 = arith.addi %scan3A_179, %scan3A_180 : i32
      %scan3A_182 = arith.constant 1 : i32
      scf.for %scan3A_193 = %scan3A_179 to %scan3A_181 step %scan3A_182  : i32 {
        %mul3A_194 = arith.constant 1 : i32
        %mul3A_195 = arith.muli %scan3A_193, %mul3A_194 : i32
        %add3A_196 = arith.constant 0 : i32
        %add3A_197 = arith.addi %add3A_196, %mul3A_195 : i32
        %mul3A_198 = arith.constant 16 : i32
        %mul3A_199 = arith.muli %add3A_197, %mul3A_198 : i32
        %get3A = arith.constant 0 : i32
        %get3A_200 = arith.index_cast %get3A : i32 to index
        %get3A_201 = arith.index_cast %mul3A_199 : i32 to index
        %get3A_202 = tpu.vector_load %arg10[%get3A_200, %get3A_201] {strides = array<i32>} : memref<4x2048xf32, #tpu.memory_space<vmem>>, vector<1x16xf32>,
        %get3A_203 = vector.shape_cast %get3A_202 : vector<1x16xf32> to vector<16xf32>
        %get3A_204 = arith.constant 0 : i32
        %get3A_205 = arith.constant 0 : i32
        %get3A_206 = arith.index_cast %get3A_204 : i32 to index
        %get3A_207 = arith.index_cast %get3A_205 : i32 to index
        %get3A_208 = arith.index_cast %mul3A_199 : i32 to index
        %get3A_209 = tpu.vector_load %arg7[%get3A_206, %get3A_207, %get3A_208] {strides = array<i32>} : memref<4x4x2048xf32, #tpu.memory_space<vmem>>, vector<1x1x16xf32>,
        %get3A_210 = vector.shape_cast %get3A_209 : vector<1x1x16xf32> to vector<16xf32>
        %add3A_211 = arith.addf %get3A_210, %get3A_203 : vector<16xf32>
        %swap3A = arith.constant 0 : i32
        %swap3A_212 = arith.constant 0 : i32
        %swap3A_213 = arith.index_cast %swap3A : i32 to index
        %swap3A_214 = arith.index_cast %swap3A_212 : i32 to index
        %swap3A_215 = arith.index_cast %mul3A_199 : i32 to index
        %swap3A_216 = tpu.vector_load %arg7[%swap3A_213, %swap3A_214, %swap3A_215] {strides = array<i32>} : memref<4x4x2048xf32, #tpu.memory_space<vmem>>, vector<1x1x16xf32>,
        %swap3A_217 = vector.shape_cast %swap3A_216 : vector<1x1x16xf32> to vector<16xf32>
        %swap3A_218 = vector.shape_cast %add3A_211 : vector<16xf32> to vector<1x1x16xf32>
        tpu.vector_store %arg7[%swap3A_213, %swap3A_214, %swap3A_215], %swap3A_218 {strides = array<i32>} : memref<4x4x2048xf32, #tpu.memory_space<vmem>>, vector<1x1x16xf32>,
        %get3A_219 = arith.constant 0 : i32
        %get3A_220 = arith.constant 1 : i32
        %get3A_221 = arith.index_cast %get3A_219 : i32 to index
        %get3A_222 = arith.index_cast %get3A_220 : i32 to index
        %get3A_223 = arith.index_cast %mul3A_199 : i32 to index
        %get3A_224 = tpu.vector_load %arg7[%get3A_221, %get3A_222, %get3A_223] {strides = array<i32>} : memref<4x4x2048xf32, #tpu.memory_space<vmem>>, vector<1x1x16xf32>,
        %get3A_225 = vector.shape_cast %get3A_224 : vector<1x1x16xf32> to vector<16xf32>
        %add3A_226 = arith.addf %get3A_225, %get3A_203 : vector<16xf32>
        %swap3A_227 = arith.constant 0 : i32
        %swap3A_228 = arith.constant 1 : i32
        %swap3A_229 = arith.index_cast %swap3A_227 : i32 to index
        %swap3A_230 = arith.index_cast %swap3A_228 : i32 to index
        %swap3A_231 = arith.index_cast %mul3A_199 : i32 to index
        %swap3A_232 = tpu.vector_load %arg7[%swap3A_229, %swap3A_230, %swap3A_231] {strides = array<i32>} : memref<4x4x2048xf32, #tpu.memory_space<vmem>>, vector<1x1x16xf32>,
        %swap3A_233 = vector.shape_cast %swap3A_232 : vector<1x1x16xf32> to vector<16xf32>
        %swap3A_234 = vector.shape_cast %add3A_226 : vector<16xf32> to vector<1x1x16xf32>
        tpu.vector_store %arg7[%swap3A_229, %swap3A_230, %swap3A_231], %swap3A_234 {strides = array<i32>} : memref<4x4x2048xf32, #tpu.memory_space<vmem>>, vector<1x1x16xf32>,
        %get3A_235 = arith.constant 0 : i32
        %get3A_236 = arith.constant 2 : i32
        %get3A_237 = arith.index_cast %get3A_235 : i32 to index
        %get3A_238 = arith.index_cast %get3A_236 : i32 to index
        %get3A_239 = arith.index_cast %mul3A_199 : i32 to index
        %get3A_240 = tpu.vector_load %arg7[%get3A_237, %get3A_238, %get3A_239] {strides = array<i32>} : memref<4x4x2048xf32, #tpu.memory_space<vmem>>, vector<1x1x16xf32>,
        %get3A_241 = vector.shape_cast %get3A_240 : vector<1x1x16xf32> to vector<16xf32>
        %add3A_242 = arith.addf %get3A_241, %get3A_203 : vector<16xf32>
        %swap3A_243 = arith.constant 0 : i32
        %swap3A_244 = arith.constant 2 : i32
        %swap3A_245 = arith.index_cast %swap3A_243 : i32 to index
        %swap3A_246 = arith.index_cast %swap3A_244 : i32 to index
        %swap3A_247 = arith.index_cast %mul3A_199 : i32 to index
        %swap3A_248 = tpu.vector_load %arg7[%swap3A_245, %swap3A_246, %swap3A_247] {strides = array<i32>} : memref<4x4x2048xf32, #tpu.memory_space<vmem>>, vector<1x1x16xf32>,
        %swap3A_249 = vector.shape_cast %swap3A_248 : vector<1x1x16xf32> to vector<16xf32>
        %swap3A_250 = vector.shape_cast %add3A_242 : vector<16xf32> to vector<1x1x16xf32>
        tpu.vector_store %arg7[%swap3A_245, %swap3A_246, %swap3A_247], %swap3A_250 {strides = array<i32>} : memref<4x4x2048xf32, #tpu.memory_space<vmem>>, vector<1x1x16xf32>,
        %get3A_251 = arith.constant 0 : i32
        %get3A_252 = arith.constant 3 : i32
        %get3A_253 = arith.index_cast %get3A_251 : i32 to index
        %get3A_254 = arith.index_cast %get3A_252 : i32 to index
        %get3A_255 = arith.index_cast %mul3A_199 : i32 to index
        %get3A_256 = tpu.vector_load %arg7[%get3A_253, %get3A_254, %get3A_255] {strides = array<i32>} : memref<4x4x2048xf32, #tpu.memory_space<vmem>>, vector<1x1x16xf32>,
        %get3A_257 = vector.shape_cast %get3A_256 : vector<1x1x16xf32> to vector<16xf32>
        %add3A_258 = arith.addf %get3A_257, %get3A_203 : vector<16xf32>
        %swap3A_259 = arith.constant 0 : i32
        %swap3A_260 = arith.constant 3 : i32
        %swap3A_261 = arith.index_cast %swap3A_259 : i32 to index
        %swap3A_262 = arith.index_cast %swap3A_260 : i32 to index
        %swap3A_263 = arith.index_cast %mul3A_199 : i32 to index
        %swap3A_264 = tpu.vector_load %arg7[%swap3A_261, %swap3A_262, %swap3A_263] {strides = array<i32>} : memref<4x4x2048xf32, #tpu.memory_space<vmem>>, vector<1x1x16xf32>,
        %swap3A_265 = vector.shape_cast %swap3A_264 : vector<1x1x16xf32> to vector<16xf32>
        %swap3A_266 = vector.shape_cast %add3A_258 : vector<16xf32> to vector<1x1x16xf32>
        tpu.vector_store %arg7[%swap3A_261, %swap3A_262, %swap3A_263], %swap3A_266 {strides = array<i32>} : memref<4x4x2048xf32, #tpu.memory_space<vmem>>, vector<1x1x16xf32>,
        %get3A_267 = arith.constant 1 : i32
        %get3A_268 = arith.index_cast %get3A_267 : i32 to index
        %get3A_269 = arith.index_cast %mul3A_199 : i32 to index
        %get3A_270 = tpu.vector_load %arg10[%get3A_268, %get3A_269] {strides = array<i32>} : memref<4x2048xf32, #tpu.memory_space<vmem>>, vector<1x16xf32>,
        %get3A_271 = vector.shape_cast %get3A_270 : vector<1x16xf32> to vector<16xf32>
        %get3A_272 = arith.constant 1 : i32
        %get3A_273 = arith.constant 0 : i32
        %get3A_274 = arith.index_cast %get3A_272 : i32 to index
        %get3A_275 = arith.index_cast %get3A_273 : i32 to index
        %get3A_276 = arith.index_cast %mul3A_199 : i32 to index
        %get3A_277 = tpu.vector_load %arg7[%get3A_274, %get3A_275, %get3A_276] {strides = array<i32>} : memref<4x4x2048xf32, #tpu.memory_space<vmem>>, vector<1x1x16xf32>,
        %get3A_278 = vector.shape_cast %get3A_277 : vector<1x1x16xf32> to vector<16xf32>
        %add3A_279 = arith.addf %get3A_278, %get3A_271 : vector<16xf32>
        %swap3A_280 = arith.constant 1 : i32
        %swap3A_281 = arith.constant 0 : i32
        %swap3A_282 = arith.index_cast %swap3A_280 : i32 to index
        %swap3A_283 = arith.index_cast %swap3A_281 : i32 to index
        %swap3A_284 = arith.index_cast %mul3A_199 : i32 to index
        %swap3A_285 = tpu.vector_load %arg7[%swap3A_282, %swap3A_283, %swap3A_284] {strides = array<i32>} : memref<4x4x2048xf32, #tpu.memory_space<vmem>>, vector<1x1x16xf32>,
        %swap3A_286 = vector.shape_cast %swap3A_285 : vector<1x1x16xf32> to vector<16xf32>
        %swap3A_287 = vector.shape_cast %add3A_279 : vector<16xf32> to vector<1x1x16xf32>
        tpu.vector_store %arg7[%swap3A_282, %swap3A_283, %swap3A_284], %swap3A_287 {strides = array<i32>} : memref<4x4x2048xf32, #tpu.memory_space<vmem>>, vector<1x1x16xf32>,
        %get3A_288 = arith.constant 1 : i32
        %get3A_289 = arith.constant 1 : i32
        %get3A_290 = arith.index_cast %get3A_288 : i32 to index
        %get3A_291 = arith.index_cast %get3A_289 : i32 to index
        %get3A_292 = arith.index_cast %mul3A_199 : i32 to index
        %get3A_293 = tpu.vector_load %arg7[%get3A_290, %get3A_291, %get3A_292] {strides = array<i32>} : memref<4x4x2048xf32, #tpu.memory_space<vmem>>, vector<1x1x16xf32>,
        %get3A_294 = vector.shape_cast %get3A_293 : vector<1x1x16xf32> to vector<16xf32>
        %add3A_295 = arith.addf %get3A_294, %get3A_271 : vector<16xf32>
        %swap3A_296 = arith.constant 1 : i32
        %swap3A_297 = arith.constant 1 : i32
        %swap3A_298 = arith.index_cast %swap3A_296 : i32 to index
        %swap3A_299 = arith.index_cast %swap3A_297 : i32 to index
        %swap3A_300 = arith.index_cast %mul3A_199 : i32 to index
        %swap3A_301 = tpu.vector_load %arg7[%swap3A_298, %swap3A_299, %swap3A_300] {strides = array<i32>} : memref<4x4x2048xf32, #tpu.memory_space<vmem>>, vector<1x1x16xf32>,
        %swap3A_302 = vector.shape_cast %swap3A_301 : vector<1x1x16xf32> to vector<16xf32>
        %swap3A_303 = vector.shape_cast %add3A_295 : vector<16xf32> to vector<1x1x16xf32>
        tpu.vector_store %arg7[%swap3A_298, %swap3A_299, %swap3A_300], %swap3A_303 {strides = array<i32>} : memref<4x4x2048xf32, #tpu.memory_space<vmem>>, vector<1x1x16xf32>,
        %get3A_304 = arith.constant 1 : i32
        %get3A_305 = arith.constant 2 : i32
        %get3A_306 = arith.index_cast %get3A_304 : i32 to index
        %get3A_307 = arith.index_cast %get3A_305 : i32 to index
        %get3A_308 = arith.index_cast %mul3A_199 : i32 to index
        %get3A_309 = tpu.vector_load %arg7[%get3A_306, %get3A_307, %get3A_308] {strides = array<i32>} : memref<4x4x2048xf32, #tpu.memory_space<vmem>>, vector<1x1x16xf32>,
        %get3A_310 = vector.shape_cast %get3A_309 : vector<1x1x16xf32> to vector<16xf32>
        %add3A_311 = arith.addf %get3A_310, %get3A_271 : vector<16xf32>
        %swap3A_312 = arith.constant 1 : i32
        %swap3A_313 = arith.constant 2 : i32
        %swap3A_314 = arith.index_cast %swap3A_312 : i32 to index
        %swap3A_315 = arith.index_cast %swap3A_313 : i32 to index
        %swap3A_316 = arith.index_cast %mul3A_199 : i32 to index
        %swap3A_317 = tpu.vector_load %arg7[%swap3A_314, %swap3A_315, %swap3A_316] {strides = array<i32>} : memref<4x4x2048xf32, #tpu.memory_space<vmem>>, vector<1x1x16xf32>,
        %swap3A_318 = vector.shape_cast %swap3A_317 : vector<1x1x16xf32> to vector<16xf32>
        %swap3A_319 = vector.shape_cast %add3A_311 : vector<16xf32> to vector<1x1x16xf32>
        tpu.vector_store %arg7[%swap3A_314, %swap3A_315, %swap3A_316], %swap3A_319 {strides = array<i32>} : memref<4x4x2048xf32, #tpu.memory_space<vmem>>, vector<1x1x16xf32>,
        %get3A_320 = arith.constant 1 : i32
        %get3A_321 = arith.constant 3 : i32
        %get3A_322 = arith.index_cast %get3A_320 : i32 to index
        %get3A_323 = arith.index_cast %get3A_321 : i32 to index
        %get3A_324 = arith.index_cast %mul3A_199 : i32 to index
        %get3A_325 = tpu.vector_load %arg7[%get3A_322, %get3A_323, %get3A_324] {strides = array<i32>} : memref<4x4x2048xf32, #tpu.memory_space<vmem>>, vector<1x1x16xf32>,
        %get3A_326 = vector.shape_cast %get3A_325 : vector<1x1x16xf32> to vector<16xf32>
        %add3A_327 = arith.addf %get3A_326, %get3A_271 : vector<16xf32>
        %swap3A_328 = arith.constant 1 : i32
        %swap3A_329 = arith.constant 3 : i32
        %swap3A_330 = arith.index_cast %swap3A_328 : i32 to index
        %swap3A_331 = arith.index_cast %swap3A_329 : i32 to index
        %swap3A_332 = arith.index_cast %mul3A_199 : i32 to index
        %swap3A_333 = tpu.vector_load %arg7[%swap3A_330, %swap3A_331, %swap3A_332] {strides = array<i32>} : memref<4x4x2048xf32, #tpu.memory_space<vmem>>, vector<1x1x16xf32>,
        %swap3A_334 = vector.shape_cast %swap3A_333 : vector<1x1x16xf32> to vector<16xf32>
        %swap3A_335 = vector.shape_cast %add3A_327 : vector<16xf32> to vector<1x1x16xf32>
        tpu.vector_store %arg7[%swap3A_330, %swap3A_331, %swap3A_332], %swap3A_335 {strides = array<i32>} : memref<4x4x2048xf32, #tpu.memory_space<vmem>>, vector<1x1x16xf32>,
        %get3A_336 = arith.constant 2 : i32
        %get3A_337 = arith.index_cast %get3A_336 : i32 to index
        %get3A_338 = arith.index_cast %mul3A_199 : i32 to index
        %get3A_339 = tpu.vector_load %arg10[%get3A_337, %get3A_338] {strides = array<i32>} : memref<4x2048xf32, #tpu.memory_space<vmem>>, vector<1x16xf32>,
        %get3A_340 = vector.shape_cast %get3A_339 : vector<1x16xf32> to vector<16xf32>
        %get3A_341 = arith.constant 2 : i32
        %get3A_342 = arith.constant 0 : i32
        %get3A_343 = arith.index_cast %get3A_341 : i32 to index
        %get3A_344 = arith.index_cast %get3A_342 : i32 to index
        %get3A_345 = arith.index_cast %mul3A_199 : i32 to index
        %get3A_346 = tpu.vector_load %arg7[%get3A_343, %get3A_344, %get3A_345] {strides = array<i32>} : memref<4x4x2048xf32, #tpu.memory_space<vmem>>, vector<1x1x16xf32>,
        %get3A_347 = vector.shape_cast %get3A_346 : vector<1x1x16xf32> to vector<16xf32>
        %add3A_348 = arith.addf %get3A_347, %get3A_340 : vector<16xf32>
        %swap3A_349 = arith.constant 2 : i32
        %swap3A_350 = arith.constant 0 : i32
        %swap3A_351 = arith.index_cast %swap3A_349 : i32 to index
        %swap3A_352 = arith.index_cast %swap3A_350 : i32 to index
        %swap3A_353 = arith.index_cast %mul3A_199 : i32 to index
        %swap3A_354 = tpu.vector_load %arg7[%swap3A_351, %swap3A_352, %swap3A_353] {strides = array<i32>} : memref<4x4x2048xf32, #tpu.memory_space<vmem>>, vector<1x1x16xf32>,
        %swap3A_355 = vector.shape_cast %swap3A_354 : vector<1x1x16xf32> to vector<16xf32>
        %swap3A_356 = vector.shape_cast %add3A_348 : vector<16xf32> to vector<1x1x16xf32>
        tpu.vector_store %arg7[%swap3A_351, %swap3A_352, %swap3A_353], %swap3A_356 {strides = array<i32>} : memref<4x4x2048xf32, #tpu.memory_space<vmem>>, vector<1x1x16xf32>,
        %get3A_357 = arith.constant 2 : i32
        %get3A_358 = arith.constant 1 : i32
        %get3A_359 = arith.index_cast %get3A_357 : i32 to index
        %get3A_360 = arith.index_cast %get3A_358 : i32 to index
        %get3A_361 = arith.index_cast %mul3A_199 : i32 to index
        %get3A_362 = tpu.vector_load %arg7[%get3A_359, %get3A_360, %get3A_361] {strides = array<i32>} : memref<4x4x2048xf32, #tpu.memory_space<vmem>>, vector<1x1x16xf32>,
        %get3A_363 = vector.shape_cast %get3A_362 : vector<1x1x16xf32> to vector<16xf32>
        %add3A_364 = arith.addf %get3A_363, %get3A_340 : vector<16xf32>
        %swap3A_365 = arith.constant 2 : i32
        %swap3A_366 = arith.constant 1 : i32
        %swap3A_367 = arith.index_cast %swap3A_365 : i32 to index
        %swap3A_368 = arith.index_cast %swap3A_366 : i32 to index
        %swap3A_369 = arith.index_cast %mul3A_199 : i32 to index
        %swap3A_370 = tpu.vector_load %arg7[%swap3A_367, %swap3A_368, %swap3A_369] {strides = array<i32>} : memref<4x4x2048xf32, #tpu.memory_space<vmem>>, vector<1x1x16xf32>,
        %swap3A_371 = vector.shape_cast %swap3A_370 : vector<1x1x16xf32> to vector<16xf32>
        %swap3A_372 = vector.shape_cast %add3A_364 : vector<16xf32> to vector<1x1x16xf32>
        tpu.vector_store %arg7[%swap3A_367, %swap3A_368, %swap3A_369], %swap3A_372 {strides = array<i32>} : memref<4x4x2048xf32, #tpu.memory_space<vmem>>, vector<1x1x16xf32>,
        %get3A_373 = arith.constant 2 : i32
        %get3A_374 = arith.constant 2 : i32
        %get3A_375 = arith.index_cast %get3A_373 : i32 to index
        %get3A_376 = arith.index_cast %get3A_374 : i32 to index
        %get3A_377 = arith.index_cast %mul3A_199 : i32 to index
        %get3A_378 = tpu.vector_load %arg7[%get3A_375, %get3A_376, %get3A_377] {strides = array<i32>} : memref<4x4x2048xf32, #tpu.memory_space<vmem>>, vector<1x1x16xf32>,
        %get3A_379 = vector.shape_cast %get3A_378 : vector<1x1x16xf32> to vector<16xf32>
        %add3A_380 = arith.addf %get3A_379, %get3A_340 : vector<16xf32>
        %swap3A_381 = arith.constant 2 : i32
        %swap3A_382 = arith.constant 2 : i32
        %swap3A_383 = arith.index_cast %swap3A_381 : i32 to index
        %swap3A_384 = arith.index_cast %swap3A_382 : i32 to index
        %swap3A_385 = arith.index_cast %mul3A_199 : i32 to index
        %swap3A_386 = tpu.vector_load %arg7[%swap3A_383, %swap3A_384, %swap3A_385] {strides = array<i32>} : memref<4x4x2048xf32, #tpu.memory_space<vmem>>, vector<1x1x16xf32>,
        %swap3A_387 = vector.shape_cast %swap3A_386 : vector<1x1x16xf32> to vector<16xf32>
        %swap3A_388 = vector.shape_cast %add3A_380 : vector<16xf32> to vector<1x1x16xf32>
        tpu.vector_store %arg7[%swap3A_383, %swap3A_384, %swap3A_385], %swap3A_388 {strides = array<i32>} : memref<4x4x2048xf32, #tpu.memory_space<vmem>>, vector<1x1x16xf32>,
        %get3A_389 = arith.constant 2 : i32
        %get3A_390 = arith.constant 3 : i32
        %get3A_391 = arith.index_cast %get3A_389 : i32 to index
        %get3A_392 = arith.index_cast %get3A_390 : i32 to index
        %get3A_393 = arith.index_cast %mul3A_199 : i32 to index
        %get3A_394 = tpu.vector_load %arg7[%get3A_391, %get3A_392, %get3A_393] {strides = array<i32>} : memref<4x4x2048xf32, #tpu.memory_space<vmem>>, vector<1x1x16xf32>,
        %get3A_395 = vector.shape_cast %get3A_394 : vector<1x1x16xf32> to vector<16xf32>
        %add3A_396 = arith.addf %get3A_395, %get3A_340 : vector<16xf32>
        %swap3A_397 = arith.constant 2 : i32
        %swap3A_398 = arith.constant 3 : i32
        %swap3A_399 = arith.index_cast %swap3A_397 : i32 to index
        %swap3A_400 = arith.index_cast %swap3A_398 : i32 to index
        %swap3A_401 = arith.index_cast %mul3A_199 : i32 to index
        %swap3A_402 = tpu.vector_load %arg7[%swap3A_399, %swap3A_400, %swap3A_401] {strides = array<i32>} : memref<4x4x2048xf32, #tpu.memory_space<vmem>>, vector<1x1x16xf32>,
        %swap3A_403 = vector.shape_cast %swap3A_402 : vector<1x1x16xf32> to vector<16xf32>
        %swap3A_404 = vector.shape_cast %add3A_396 : vector<16xf32> to vector<1x1x16xf32>
        tpu.vector_store %arg7[%swap3A_399, %swap3A_400, %swap3A_401], %swap3A_404 {strides = array<i32>} : memref<4x4x2048xf32, #tpu.memory_space<vmem>>, vector<1x1x16xf32>,
        %get3A_405 = arith.constant 3 : i32
        %get3A_406 = arith.index_cast %get3A_405 : i32 to index
        %get3A_407 = arith.index_cast %mul3A_199 : i32 to index
        %get3A_408 = tpu.vector_load %arg10[%get3A_406, %get3A_407] {strides = array<i32>} : memref<4x2048xf32, #tpu.memory_space<vmem>>, vector<1x16xf32>,
        %get3A_409 = vector.shape_cast %get3A_408 : vector<1x16xf32> to vector<16xf32>
        %get3A_410 = arith.constant 3 : i32
        %get3A_411 = arith.constant 0 : i32
        %get3A_412 = arith.index_cast %get3A_410 : i32 to index
        %get3A_413 = arith.index_cast %get3A_411 : i32 to index
        %get3A_414 = arith.index_cast %mul3A_199 : i32 to index
        %get3A_415 = tpu.vector_load %arg7[%get3A_412, %get3A_413, %get3A_414] {strides = array<i32>} : memref<4x4x2048xf32, #tpu.memory_space<vmem>>, vector<1x1x16xf32>,
        %get3A_416 = vector.shape_cast %get3A_415 : vector<1x1x16xf32> to vector<16xf32>
        %add3A_417 = arith.addf %get3A_416, %get3A_409 : vector<16xf32>
        %swap3A_418 = arith.constant 3 : i32
        %swap3A_419 = arith.constant 0 : i32
        %swap3A_420 = arith.index_cast %swap3A_418 : i32 to index
        %swap3A_421 = arith.index_cast %swap3A_419 : i32 to index
        %swap3A_422 = arith.index_cast %mul3A_199 : i32 to index
        %swap3A_423 = tpu.vector_load %arg7[%swap3A_420, %swap3A_421, %swap3A_422] {strides = array<i32>} : memref<4x4x2048xf32, #tpu.memory_space<vmem>>, vector<1x1x16xf32>,
        %swap3A_424 = vector.shape_cast %swap3A_423 : vector<1x1x16xf32> to vector<16xf32>
        %swap3A_425 = vector.shape_cast %add3A_417 : vector<16xf32> to vector<1x1x16xf32>
        tpu.vector_store %arg7[%swap3A_420, %swap3A_421, %swap3A_422], %swap3A_425 {strides = array<i32>} : memref<4x4x2048xf32, #tpu.memory_space<vmem>>, vector<1x1x16xf32>,
        %get3A_426 = arith.constant 3 : i32
        %get3A_427 = arith.constant 1 : i32
        %get3A_428 = arith.index_cast %get3A_426 : i32 to index
        %get3A_429 = arith.index_cast %get3A_427 : i32 to index
        %get3A_430 = arith.index_cast %mul3A_199 : i32 to index
        %get3A_431 = tpu.vector_load %arg7[%get3A_428, %get3A_429, %get3A_430] {strides = array<i32>} : memref<4x4x2048xf32, #tpu.memory_space<vmem>>, vector<1x1x16xf32>,
        %get3A_432 = vector.shape_cast %get3A_431 : vector<1x1x16xf32> to vector<16xf32>
        %add3A_433 = arith.addf %get3A_432, %get3A_409 : vector<16xf32>
        %swap3A_434 = arith.constant 3 : i32
        %swap3A_435 = arith.constant 1 : i32
        %swap3A_436 = arith.index_cast %swap3A_434 : i32 to index
        %swap3A_437 = arith.index_cast %swap3A_435 : i32 to index
        %swap3A_438 = arith.index_cast %mul3A_199 : i32 to index
        %swap3A_439 = tpu.vector_load %arg7[%swap3A_436, %swap3A_437, %swap3A_438] {strides = array<i32>} : memref<4x4x2048xf32, #tpu.memory_space<vmem>>, vector<1x1x16xf32>,
        %swap3A_440 = vector.shape_cast %swap3A_439 : vector<1x1x16xf32> to vector<16xf32>
        %swap3A_441 = vector.shape_cast %add3A_433 : vector<16xf32> to vector<1x1x16xf32>
        tpu.vector_store %arg7[%swap3A_436, %swap3A_437, %swap3A_438], %swap3A_441 {strides = array<i32>} : memref<4x4x2048xf32, #tpu.memory_space<vmem>>, vector<1x1x16xf32>,
        %get3A_442 = arith.constant 3 : i32
        %get3A_443 = arith.constant 2 : i32
        %get3A_444 = arith.index_cast %get3A_442 : i32 to index
        %get3A_445 = arith.index_cast %get3A_443 : i32 to index
        %get3A_446 = arith.index_cast %mul3A_199 : i32 to index
        %get3A_447 = tpu.vector_load %arg7[%get3A_444, %get3A_445, %get3A_446] {strides = array<i32>} : memref<4x4x2048xf32, #tpu.memory_space<vmem>>, vector<1x1x16xf32>,
        %get3A_448 = vector.shape_cast %get3A_447 : vector<1x1x16xf32> to vector<16xf32>
        %add3A_449 = arith.addf %get3A_448, %get3A_409 : vector<16xf32>
        %swap3A_450 = arith.constant 3 : i32
        %swap3A_451 = arith.constant 2 : i32
        %swap3A_452 = arith.index_cast %swap3A_450 : i32 to index
        %swap3A_453 = arith.index_cast %swap3A_451 : i32 to index
        %swap3A_454 = arith.index_cast %mul3A_199 : i32 to index
        %swap3A_455 = tpu.vector_load %arg7[%swap3A_452, %swap3A_453, %swap3A_454] {strides = array<i32>} : memref<4x4x2048xf32, #tpu.memory_space<vmem>>, vector<1x1x16xf32>,
        %swap3A_456 = vector.shape_cast %swap3A_455 : vector<1x1x16xf32> to vector<16xf32>
        %swap3A_457 = vector.shape_cast %add3A_449 : vector<16xf32> to vector<1x1x16xf32>
        tpu.vector_store %arg7[%swap3A_452, %swap3A_453, %swap3A_454], %swap3A_457 {strides = array<i32>} : memref<4x4x2048xf32, #tpu.memory_space<vmem>>, vector<1x1x16xf32>,
        %get3A_458 = arith.constant 3 : i32
        %get3A_459 = arith.constant 3 : i32
        %get3A_460 = arith.index_cast %get3A_458 : i32 to index
        %get3A_461 = arith.index_cast %get3A_459 : i32 to index
        %get3A_462 = arith.index_cast %mul3A_199 : i32 to index
        %get3A_463 = tpu.vector_load %arg7[%get3A_460, %get3A_461, %get3A_462] {strides = array<i32>} : memref<4x4x2048xf32, #tpu.memory_space<vmem>>, vector<1x1x16xf32>,
        %get3A_464 = vector.shape_cast %get3A_463 : vector<1x1x16xf32> to vector<16xf32>
        %add3A_465 = arith.addf %get3A_464, %get3A_409 : vector<16xf32>
        %swap3A_466 = arith.constant 3 : i32
        %swap3A_467 = arith.constant 3 : i32
        %swap3A_468 = arith.index_cast %swap3A_466 : i32 to index
        %swap3A_469 = arith.index_cast %swap3A_467 : i32 to index
        %swap3A_470 = arith.index_cast %mul3A_199 : i32 to index
        %swap3A_471 = tpu.vector_load %arg7[%swap3A_468, %swap3A_469, %swap3A_470] {strides = array<i32>} : memref<4x4x2048xf32, #tpu.memory_space<vmem>>, vector<1x1x16xf32>,
        %swap3A_472 = vector.shape_cast %swap3A_471 : vector<1x1x16xf32> to vector<16xf32>
        %swap3A_473 = vector.shape_cast %add3A_465 : vector<16xf32> to vector<1x1x16xf32>
        tpu.vector_store %arg7[%swap3A_468, %swap3A_469, %swap3A_470], %swap3A_473 {strides = array<i32>} : memref<4x4x2048xf32, #tpu.memory_space<vmem>>, vector<1x1x16xf32>,
      }
      %scan3A_183 = arith.constant 128 : i32
      %mul3A_184 = arith.constant 4 : i32
      %mul3A_185 = arith.muli %add3A_157, %mul3A_184 : i32
      %add3A_186 = arith.addi %mul3A_2, %mul3A_185 : i32
      %dma_start3A_187 = arith.constant 0 : i32
      %dma_start3A_188 = arith.constant 0 : i32
      %dma_start3A_189 = tpu.memref_slice %arg4[%add3A_186, %dma_start3A_187, %dma_start3A_188] : memref<2048x4x2048xf32, #tpu.memory_space<hbm>> -> memref<4x4x2048xf32, #tpu.memory_space<hbm>>
      %dma_start3A_190 = arith.constant 0 : i32
      %dma_start3A_191 = arith.constant 0 : i32
      %dma_start3A_192 = tpu.memref_slice %arg4[%add3A_186, %dma_start3A_190, %dma_start3A_191] : memref<2048x4x2048xf32, #tpu.memory_space<hbm>> -> memref<4x4x2048xf32, #tpu.memory_space<hbm>>
      tpu.enqueue_dma source(%arg7 : memref<4x4x2048xf32, #tpu.memory_space<vmem>>) target(%dma_start3A_192 : memref<4x4x2048xf32, #tpu.memory_space<hbm>>) target_semaphore(%arg19 : memref<!tpu.dma_semaphore, #tpu.memory_space<semaphore_mem>>)
    }
    %scan3A_29 = arith.constant 5 : i32
    %dma_wait3A = arith.constant 0 : i32
    %dma_wait3A_30 = arith.constant 0 : i32
    %dma_wait3A_31 = arith.constant 0 : i32
    %dma_wait3A_32 = tpu.memref_slice %arg2[%dma_wait3A, %dma_wait3A_30, %dma_wait3A_31] : memref<2048x4x2048xf32, #tpu.memory_space<hbm>> -> memref<4x4x2048xf32, #tpu.memory_space<hbm>>
    %dma_wait3A_33 = arith.constant 0 : i32
    %dma_wait3A_34 = arith.constant 0 : i32
    %dma_wait3A_35 = arith.constant 0 : i32
    %dma_wait3A_36 = tpu.memref_slice %arg2[%dma_wait3A_33, %dma_wait3A_34, %dma_wait3A_35] : memref<2048x4x2048xf32, #tpu.memory_space<hbm>> -> memref<4x4x2048xf32, #tpu.memory_space<hbm>>
    tpu.wait_dma2 semaphore(%arg11 : memref<!tpu.dma_semaphore, #tpu.memory_space<semaphore_mem>>) src(%dma_wait3A_36 : memref<4x4x2048xf32, #tpu.memory_space<hbm>>) dst(%arg5 : memref<4x4x2048xf32, #tpu.memory_space<vmem>>)
    %dma_wait3A_37 = arith.constant 0 : i32
    %dma_wait3A_38 = arith.constant 0 : i32
    %dma_wait3A_39 = tpu.memref_slice %arg3[%dma_wait3A_37, %dma_wait3A_38] : memref<2048x2048xf32, #tpu.memory_space<hbm>> -> memref<4x2048xf32, #tpu.memory_space<hbm>>
    %dma_wait3A_40 = arith.constant 0 : i32
    %dma_wait3A_41 = arith.constant 0 : i32
    %dma_wait3A_42 = tpu.memref_slice %arg3[%dma_wait3A_40, %dma_wait3A_41] : memref<2048x2048xf32, #tpu.memory_space<hbm>> -> memref<4x2048xf32, #tpu.memory_space<hbm>>
    tpu.wait_dma2 semaphore(%arg14 : memref<!tpu.dma_semaphore, #tpu.memory_space<semaphore_mem>>) src(%dma_wait3A_42 : memref<4x2048xf32, #tpu.memory_space<hbm>>) dst(%arg8 : memref<4x2048xf32, #tpu.memory_space<vmem>>)
    %scan3A_43 = arith.constant 0 : i32
    %scan3A_44 = arith.constant 128 : i32
    %scan3A_45 = arith.addi %scan3A_43, %scan3A_44 : i32
    %scan3A_46 = arith.constant 1 : i32
    scf.for %scan3A_80 = %scan3A_43 to %scan3A_45 step %scan3A_46  : i32 {
      %mul3A_81 = arith.constant 1 : i32
      %mul3A_82 = arith.muli %scan3A_80, %mul3A_81 : i32
      %add3A_83 = arith.constant 0 : i32
      %add3A_84 = arith.addi %add3A_83, %mul3A_82 : i32
      %mul3A_85 = arith.constant 16 : i32
      %mul3A_86 = arith.muli %add3A_84, %mul3A_85 : i32
      %get3A = arith.constant 0 : i32
      %get3A_87 = arith.index_cast %get3A : i32 to index
      %get3A_88 = arith.index_cast %mul3A_86 : i32 to index
      %get3A_89 = tpu.vector_load %arg8[%get3A_87, %get3A_88] {strides = array<i32>} : memref<4x2048xf32, #tpu.memory_space<vmem>>, vector<1x16xf32>,
      %get3A_90 = vector.shape_cast %get3A_89 : vector<1x16xf32> to vector<16xf32>
      %get3A_91 = arith.constant 0 : i32
      %get3A_92 = arith.constant 0 : i32
      %get3A_93 = arith.index_cast %get3A_91 : i32 to index
      %get3A_94 = arith.index_cast %get3A_92 : i32 to index
      %get3A_95 = arith.index_cast %mul3A_86 : i32 to index
      %get3A_96 = tpu.vector_load %arg5[%get3A_93, %get3A_94, %get3A_95] {strides = array<i32>} : memref<4x4x2048xf32, #tpu.memory_space<vmem>>, vector<1x1x16xf32>,
      %get3A_97 = vector.shape_cast %get3A_96 : vector<1x1x16xf32> to vector<16xf32>
      %add3A_98 = arith.addf %get3A_97, %get3A_90 : vector<16xf32>
      %swap3A = arith.constant 0 : i32
      %swap3A_99 = arith.constant 0 : i32
      %swap3A_100 = arith.index_cast %swap3A : i32 to index
      %swap3A_101 = arith.index_cast %swap3A_99 : i32 to index
      %swap3A_102 = arith.index_cast %mul3A_86 : i32 to index
      %swap3A_103 = tpu.vector_load %arg5[%swap3A_100, %swap3A_101, %swap3A_102] {strides = array<i32>} : memref<4x4x2048xf32, #tpu.memory_space<vmem>>, vector<1x1x16xf32>,
      %swap3A_104 = vector.shape_cast %swap3A_103 : vector<1x1x16xf32> to vector<16xf32>
      %swap3A_105 = vector.shape_cast %add3A_98 : vector<16xf32> to vector<1x1x16xf32>
      tpu.vector_store %arg5[%swap3A_100, %swap3A_101, %swap3A_102], %swap3A_105 {strides = array<i32>} : memref<4x4x2048xf32, #tpu.memory_space<vmem>>, vector<1x1x16xf32>,
      %get3A_106 = arith.constant 0 : i32
      %get3A_107 = arith.constant 1 : i32
      %get3A_108 = arith.index_cast %get3A_106 : i32 to index
      %get3A_109 = arith.index_cast %get3A_107 : i32 to index
      %get3A_110 = arith.index_cast %mul3A_86 : i32 to index
      %get3A_111 = tpu.vector_load %arg5[%get3A_108, %get3A_109, %get3A_110] {strides = array<i32>} : memref<4x4x2048xf32, #tpu.memory_space<vmem>>, vector<1x1x16xf32>,
      %get3A_112 = vector.shape_cast %get3A_111 : vector<1x1x16xf32> to vector<16xf32>
      %add3A_113 = arith.addf %get3A_112, %get3A_90 : vector<16xf32>
      %swap3A_114 = arith.constant 0 : i32
      %swap3A_115 = arith.constant 1 : i32
      %swap3A_116 = arith.index_cast %swap3A_114 : i32 to index
      %swap3A_117 = arith.index_cast %swap3A_115 : i32 to index
      %swap3A_118 = arith.index_cast %mul3A_86 : i32 to index
      %swap3A_119 = tpu.vector_load %arg5[%swap3A_116, %swap3A_117, %swap3A_118] {strides = array<i32>} : memref<4x4x2048xf32, #tpu.memory_space<vmem>>, vector<1x1x16xf32>,
      %swap3A_120 = vector.shape_cast %swap3A_119 : vector<1x1x16xf32> to vector<16xf32>
      %swap3A_121 = vector.shape_cast %add3A_113 : vector<16xf32> to vector<1x1x16xf32>
      tpu.vector_store %arg5[%swap3A_116, %swap3A_117, %swap3A_118], %swap3A_121 {strides = array<i32>} : memref<4x4x2048xf32, #tpu.memory_space<vmem>>, vector<1x1x16xf32>,
      %get3A_122 = arith.constant 0 : i32
      %get3A_123 = arith.constant 2 : i32
      %get3A_124 = arith.index_cast %get3A_122 : i32 to index
      %get3A_125 = arith.index_cast %get3A_123 : i32 to index
      %get3A_126 = arith.index_cast %mul3A_86 : i32 to index
      %get3A_127 = tpu.vector_load %arg5[%get3A_124, %get3A_125, %get3A_126] {strides = array<i32>} : memref<4x4x2048xf32, #tpu.memory_space<vmem>>, vector<1x1x16xf32>,
      %get3A_128 = vector.shape_cast %get3A_127 : vector<1x1x16xf32> to vector<16xf32>
      %add3A_129 = arith.addf %get3A_128, %get3A_90 : vector<16xf32>
      %swap3A_130 = arith.constant 0 : i32
      %swap3A_131 = arith.constant 2 : i32
      %swap3A_132 = arith.index_cast %swap3A_130 : i32 to index
      %swap3A_133 = arith.index_cast %swap3A_131 : i32 to index
      %swap3A_134 = arith.index_cast %mul3A_86 : i32 to index
      %swap3A_135 = tpu.vector_load %arg5[%swap3A_132, %swap3A_133, %swap3A_134] {strides = array<i32>} : memref<4x4x2048xf32, #tpu.memory_space<vmem>>, vector<1x1x16xf32>,
      %swap3A_136 = vector.shape_cast %swap3A_135 : vector<1x1x16xf32> to vector<16xf32>
      %swap3A_137 = vector.shape_cast %add3A_129 : vector<16xf32> to vector<1x1x16xf32>
      tpu.vector_store %arg5[%swap3A_132, %swap3A_133, %swap3A_134], %swap3A_137 {strides = array<i32>} : memref<4x4x2048xf32, #tpu.memory_space<vmem>>, vector<1x1x16xf32>,
      %get3A_138 = arith.constant 0 : i32
      %get3A_139 = arith.constant 3 : i32
      %get3A_140 = arith.index_cast %get3A_138 : i32 to index
      %get3A_141 = arith.index_cast %get3A_139 : i32 to index
      %get3A_142 = arith.index_cast %mul3A_86 : i32 to index
      %get3A_143 = tpu.vector_load %arg5[%get3A_140, %get3A_141, %get3A_142] {strides = array<i32>} : memref<4x4x2048xf32, #tpu.memory_space<vmem>>, vector<1x1x16xf32>,
      %get3A_144 = vector.shape_cast %get3A_143 : vector<1x1x16xf32> to vector<16xf32>
      %add3A_145 = arith.addf %get3A_144, %get3A_90 : vector<16xf32>
      %swap3A_146 = arith.constant 0 : i32
      %swap3A_147 = arith.constant 3 : i32
      %swap3A_148 = arith.index_cast %swap3A_146 : i32 to index
      %swap3A_149 = arith.index_cast %swap3A_147 : i32 to index
      %swap3A_150 = arith.index_cast %mul3A_86 : i32 to index
      %swap3A_151 = tpu.vector_load %arg5[%swap3A_148, %swap3A_149, %swap3A_150] {strides = array<i32>} : memref<4x4x2048xf32, #tpu.memory_space<vmem>>, vector<1x1x16xf32>,
      %swap3A_152 = vector.shape_cast %swap3A_151 : vector<1x1x16xf32> to vector<16xf32>
      %swap3A_153 = vector.shape_cast %add3A_145 : vector<16xf32> to vector<1x1x16xf32>
      tpu.vector_store %arg5[%swap3A_148, %swap3A_149, %swap3A_150], %swap3A_153 {strides = array<i32>} : memref<4x4x2048xf32, #tpu.memory_space<vmem>>, vector<1x1x16xf32>,
      %get3A_154 = arith.constant 1 : i32
      %get3A_155 = arith.index_cast %get3A_154 : i32 to index
      %get3A_156 = arith.index_cast %mul3A_86 : i32 to index
      %get3A_157 = tpu.vector_load %arg8[%get3A_155, %get3A_156] {strides = array<i32>} : memref<4x2048xf32, #tpu.memory_space<vmem>>, vector<1x16xf32>,
      %get3A_158 = vector.shape_cast %get3A_157 : vector<1x16xf32> to vector<16xf32>
      %get3A_159 = arith.constant 1 : i32
      %get3A_160 = arith.constant 0 : i32
      %get3A_161 = arith.index_cast %get3A_159 : i32 to index
      %get3A_162 = arith.index_cast %get3A_160 : i32 to index
      %get3A_163 = arith.index_cast %mul3A_86 : i32 to index
      %get3A_164 = tpu.vector_load %arg5[%get3A_161, %get3A_162, %get3A_163] {strides = array<i32>} : memref<4x4x2048xf32, #tpu.memory_space<vmem>>, vector<1x1x16xf32>,
      %get3A_165 = vector.shape_cast %get3A_164 : vector<1x1x16xf32> to vector<16xf32>
      %add3A_166 = arith.addf %get3A_165, %get3A_158 : vector<16xf32>
      %swap3A_167 = arith.constant 1 : i32
      %swap3A_168 = arith.constant 0 : i32
      %swap3A_169 = arith.index_cast %swap3A_167 : i32 to index
      %swap3A_170 = arith.index_cast %swap3A_168 : i32 to index
      %swap3A_171 = arith.index_cast %mul3A_86 : i32 to index
      %swap3A_172 = tpu.vector_load %arg5[%swap3A_169, %swap3A_170, %swap3A_171] {strides = array<i32>} : memref<4x4x2048xf32, #tpu.memory_space<vmem>>, vector<1x1x16xf32>,
      %swap3A_173 = vector.shape_cast %swap3A_172 : vector<1x1x16xf32> to vector<16xf32>
      %swap3A_174 = vector.shape_cast %add3A_166 : vector<16xf32> to vector<1x1x16xf32>
      tpu.vector_store %arg5[%swap3A_169, %swap3A_170, %swap3A_171], %swap3A_174 {strides = array<i32>} : memref<4x4x2048xf32, #tpu.memory_space<vmem>>, vector<1x1x16xf32>,
      %get3A_175 = arith.constant 1 : i32
      %get3A_176 = arith.constant 1 : i32
      %get3A_177 = arith.index_cast %get3A_175 : i32 to index
      %get3A_178 = arith.index_cast %get3A_176 : i32 to index
      %get3A_179 = arith.index_cast %mul3A_86 : i32 to index
      %get3A_180 = tpu.vector_load %arg5[%get3A_177, %get3A_178, %get3A_179] {strides = array<i32>} : memref<4x4x2048xf32, #tpu.memory_space<vmem>>, vector<1x1x16xf32>,
      %get3A_181 = vector.shape_cast %get3A_180 : vector<1x1x16xf32> to vector<16xf32>
      %add3A_182 = arith.addf %get3A_181, %get3A_158 : vector<16xf32>
      %swap3A_183 = arith.constant 1 : i32
      %swap3A_184 = arith.constant 1 : i32
      %swap3A_185 = arith.index_cast %swap3A_183 : i32 to index
      %swap3A_186 = arith.index_cast %swap3A_184 : i32 to index
      %swap3A_187 = arith.index_cast %mul3A_86 : i32 to index
      %swap3A_188 = tpu.vector_load %arg5[%swap3A_185, %swap3A_186, %swap3A_187] {strides = array<i32>} : memref<4x4x2048xf32, #tpu.memory_space<vmem>>, vector<1x1x16xf32>,
      %swap3A_189 = vector.shape_cast %swap3A_188 : vector<1x1x16xf32> to vector<16xf32>
      %swap3A_190 = vector.shape_cast %add3A_182 : vector<16xf32> to vector<1x1x16xf32>
      tpu.vector_store %arg5[%swap3A_185, %swap3A_186, %swap3A_187], %swap3A_190 {strides = array<i32>} : memref<4x4x2048xf32, #tpu.memory_space<vmem>>, vector<1x1x16xf32>,
      %get3A_191 = arith.constant 1 : i32
      %get3A_192 = arith.constant 2 : i32
      %get3A_193 = arith.index_cast %get3A_191 : i32 to index
      %get3A_194 = arith.index_cast %get3A_192 : i32 to index
      %get3A_195 = arith.index_cast %mul3A_86 : i32 to index
      %get3A_196 = tpu.vector_load %arg5[%get3A_193, %get3A_194, %get3A_195] {strides = array<i32>} : memref<4x4x2048xf32, #tpu.memory_space<vmem>>, vector<1x1x16xf32>,
      %get3A_197 = vector.shape_cast %get3A_196 : vector<1x1x16xf32> to vector<16xf32>
      %add3A_198 = arith.addf %get3A_197, %get3A_158 : vector<16xf32>
      %swap3A_199 = arith.constant 1 : i32
      %swap3A_200 = arith.constant 2 : i32
      %swap3A_201 = arith.index_cast %swap3A_199 : i32 to index
      %swap3A_202 = arith.index_cast %swap3A_200 : i32 to index
      %swap3A_203 = arith.index_cast %mul3A_86 : i32 to index
      %swap3A_204 = tpu.vector_load %arg5[%swap3A_201, %swap3A_202, %swap3A_203] {strides = array<i32>} : memref<4x4x2048xf32, #tpu.memory_space<vmem>>, vector<1x1x16xf32>,
      %swap3A_205 = vector.shape_cast %swap3A_204 : vector<1x1x16xf32> to vector<16xf32>
      %swap3A_206 = vector.shape_cast %add3A_198 : vector<16xf32> to vector<1x1x16xf32>
      tpu.vector_store %arg5[%swap3A_201, %swap3A_202, %swap3A_203], %swap3A_206 {strides = array<i32>} : memref<4x4x2048xf32, #tpu.memory_space<vmem>>, vector<1x1x16xf32>,
      %get3A_207 = arith.constant 1 : i32
      %get3A_208 = arith.constant 3 : i32
      %get3A_209 = arith.index_cast %get3A_207 : i32 to index
      %get3A_210 = arith.index_cast %get3A_208 : i32 to index
      %get3A_211 = arith.index_cast %mul3A_86 : i32 to index
      %get3A_212 = tpu.vector_load %arg5[%get3A_209, %get3A_210, %get3A_211] {strides = array<i32>} : memref<4x4x2048xf32, #tpu.memory_space<vmem>>, vector<1x1x16xf32>,
      %get3A_213 = vector.shape_cast %get3A_212 : vector<1x1x16xf32> to vector<16xf32>
      %add3A_214 = arith.addf %get3A_213, %get3A_158 : vector<16xf32>
      %swap3A_215 = arith.constant 1 : i32
      %swap3A_216 = arith.constant 3 : i32
      %swap3A_217 = arith.index_cast %swap3A_215 : i32 to index
      %swap3A_218 = arith.index_cast %swap3A_216 : i32 to index
      %swap3A_219 = arith.index_cast %mul3A_86 : i32 to index
      %swap3A_220 = tpu.vector_load %arg5[%swap3A_217, %swap3A_218, %swap3A_219] {strides = array<i32>} : memref<4x4x2048xf32, #tpu.memory_space<vmem>>, vector<1x1x16xf32>,
      %swap3A_221 = vector.shape_cast %swap3A_220 : vector<1x1x16xf32> to vector<16xf32>
      %swap3A_222 = vector.shape_cast %add3A_214 : vector<16xf32> to vector<1x1x16xf32>
      tpu.vector_store %arg5[%swap3A_217, %swap3A_218, %swap3A_219], %swap3A_222 {strides = array<i32>} : memref<4x4x2048xf32, #tpu.memory_space<vmem>>, vector<1x1x16xf32>,
      %get3A_223 = arith.constant 2 : i32
      %get3A_224 = arith.index_cast %get3A_223 : i32 to index
      %get3A_225 = arith.index_cast %mul3A_86 : i32 to index
      %get3A_226 = tpu.vector_load %arg8[%get3A_224, %get3A_225] {strides = array<i32>} : memref<4x2048xf32, #tpu.memory_space<vmem>>, vector<1x16xf32>,
      %get3A_227 = vector.shape_cast %get3A_226 : vector<1x16xf32> to vector<16xf32>
      %get3A_228 = arith.constant 2 : i32
      %get3A_229 = arith.constant 0 : i32
      %get3A_230 = arith.index_cast %get3A_228 : i32 to index
      %get3A_231 = arith.index_cast %get3A_229 : i32 to index
      %get3A_232 = arith.index_cast %mul3A_86 : i32 to index
      %get3A_233 = tpu.vector_load %arg5[%get3A_230, %get3A_231, %get3A_232] {strides = array<i32>} : memref<4x4x2048xf32, #tpu.memory_space<vmem>>, vector<1x1x16xf32>,
      %get3A_234 = vector.shape_cast %get3A_233 : vector<1x1x16xf32> to vector<16xf32>
      %add3A_235 = arith.addf %get3A_234, %get3A_227 : vector<16xf32>
      %swap3A_236 = arith.constant 2 : i32
      %swap3A_237 = arith.constant 0 : i32
      %swap3A_238 = arith.index_cast %swap3A_236 : i32 to index
      %swap3A_239 = arith.index_cast %swap3A_237 : i32 to index
      %swap3A_240 = arith.index_cast %mul3A_86 : i32 to index
      %swap3A_241 = tpu.vector_load %arg5[%swap3A_238, %swap3A_239, %swap3A_240] {strides = array<i32>} : memref<4x4x2048xf32, #tpu.memory_space<vmem>>, vector<1x1x16xf32>,
      %swap3A_242 = vector.shape_cast %swap3A_241 : vector<1x1x16xf32> to vector<16xf32>
      %swap3A_243 = vector.shape_cast %add3A_235 : vector<16xf32> to vector<1x1x16xf32>
      tpu.vector_store %arg5[%swap3A_238, %swap3A_239, %swap3A_240], %swap3A_243 {strides = array<i32>} : memref<4x4x2048xf32, #tpu.memory_space<vmem>>, vector<1x1x16xf32>,
      %get3A_244 = arith.constant 2 : i32
      %get3A_245 = arith.constant 1 : i32
      %get3A_246 = arith.index_cast %get3A_244 : i32 to index
      %get3A_247 = arith.index_cast %get3A_245 : i32 to index
      %get3A_248 = arith.index_cast %mul3A_86 : i32 to index
      %get3A_249 = tpu.vector_load %arg5[%get3A_246, %get3A_247, %get3A_248] {strides = array<i32>} : memref<4x4x2048xf32, #tpu.memory_space<vmem>>, vector<1x1x16xf32>,
      %get3A_250 = vector.shape_cast %get3A_249 : vector<1x1x16xf32> to vector<16xf32>
      %add3A_251 = arith.addf %get3A_250, %get3A_227 : vector<16xf32>
      %swap3A_252 = arith.constant 2 : i32
      %swap3A_253 = arith.constant 1 : i32
      %swap3A_254 = arith.index_cast %swap3A_252 : i32 to index
      %swap3A_255 = arith.index_cast %swap3A_253 : i32 to index
      %swap3A_256 = arith.index_cast %mul3A_86 : i32 to index
      %swap3A_257 = tpu.vector_load %arg5[%swap3A_254, %swap3A_255, %swap3A_256] {strides = array<i32>} : memref<4x4x2048xf32, #tpu.memory_space<vmem>>, vector<1x1x16xf32>,
      %swap3A_258 = vector.shape_cast %swap3A_257 : vector<1x1x16xf32> to vector<16xf32>
      %swap3A_259 = vector.shape_cast %add3A_251 : vector<16xf32> to vector<1x1x16xf32>
      tpu.vector_store %arg5[%swap3A_254, %swap3A_255, %swap3A_256], %swap3A_259 {strides = array<i32>} : memref<4x4x2048xf32, #tpu.memory_space<vmem>>, vector<1x1x16xf32>,
      %get3A_260 = arith.constant 2 : i32
      %get3A_261 = arith.constant 2 : i32
      %get3A_262 = arith.index_cast %get3A_260 : i32 to index
      %get3A_263 = arith.index_cast %get3A_261 : i32 to index
      %get3A_264 = arith.index_cast %mul3A_86 : i32 to index
      %get3A_265 = tpu.vector_load %arg5[%get3A_262, %get3A_263, %get3A_264] {strides = array<i32>} : memref<4x4x2048xf32, #tpu.memory_space<vmem>>, vector<1x1x16xf32>,
      %get3A_266 = vector.shape_cast %get3A_265 : vector<1x1x16xf32> to vector<16xf32>
      %add3A_267 = arith.addf %get3A_266, %get3A_227 : vector<16xf32>
      %swap3A_268 = arith.constant 2 : i32
      %swap3A_269 = arith.constant 2 : i32
      %swap3A_270 = arith.index_cast %swap3A_268 : i32 to index
      %swap3A_271 = arith.index_cast %swap3A_269 : i32 to index
      %swap3A_272 = arith.index_cast %mul3A_86 : i32 to index
      %swap3A_273 = tpu.vector_load %arg5[%swap3A_270, %swap3A_271, %swap3A_272] {strides = array<i32>} : memref<4x4x2048xf32, #tpu.memory_space<vmem>>, vector<1x1x16xf32>,
      %swap3A_274 = vector.shape_cast %swap3A_273 : vector<1x1x16xf32> to vector<16xf32>
      %swap3A_275 = vector.shape_cast %add3A_267 : vector<16xf32> to vector<1x1x16xf32>
      tpu.vector_store %arg5[%swap3A_270, %swap3A_271, %swap3A_272], %swap3A_275 {strides = array<i32>} : memref<4x4x2048xf32, #tpu.memory_space<vmem>>, vector<1x1x16xf32>,
      %get3A_276 = arith.constant 2 : i32
      %get3A_277 = arith.constant 3 : i32
      %get3A_278 = arith.index_cast %get3A_276 : i32 to index
      %get3A_279 = arith.index_cast %get3A_277 : i32 to index
      %get3A_280 = arith.index_cast %mul3A_86 : i32 to index
      %get3A_281 = tpu.vector_load %arg5[%get3A_278, %get3A_279, %get3A_280] {strides = array<i32>} : memref<4x4x2048xf32, #tpu.memory_space<vmem>>, vector<1x1x16xf32>,
      %get3A_282 = vector.shape_cast %get3A_281 : vector<1x1x16xf32> to vector<16xf32>
      %add3A_283 = arith.addf %get3A_282, %get3A_227 : vector<16xf32>
      %swap3A_284 = arith.constant 2 : i32
      %swap3A_285 = arith.constant 3 : i32
      %swap3A_286 = arith.index_cast %swap3A_284 : i32 to index
      %swap3A_287 = arith.index_cast %swap3A_285 : i32 to index
      %swap3A_288 = arith.index_cast %mul3A_86 : i32 to index
      %swap3A_289 = tpu.vector_load %arg5[%swap3A_286, %swap3A_287, %swap3A_288] {strides = array<i32>} : memref<4x4x2048xf32, #tpu.memory_space<vmem>>, vector<1x1x16xf32>,
      %swap3A_290 = vector.shape_cast %swap3A_289 : vector<1x1x16xf32> to vector<16xf32>
      %swap3A_291 = vector.shape_cast %add3A_283 : vector<16xf32> to vector<1x1x16xf32>
      tpu.vector_store %arg5[%swap3A_286, %swap3A_287, %swap3A_288], %swap3A_291 {strides = array<i32>} : memref<4x4x2048xf32, #tpu.memory_space<vmem>>, vector<1x1x16xf32>,
      %get3A_292 = arith.constant 3 : i32
      %get3A_293 = arith.index_cast %get3A_292 : i32 to index
      %get3A_294 = arith.index_cast %mul3A_86 : i32 to index
      %get3A_295 = tpu.vector_load %arg8[%get3A_293, %get3A_294] {strides = array<i32>} : memref<4x2048xf32, #tpu.memory_space<vmem>>, vector<1x16xf32>,
      %get3A_296 = vector.shape_cast %get3A_295 : vector<1x16xf32> to vector<16xf32>
      %get3A_297 = arith.constant 3 : i32
      %get3A_298 = arith.constant 0 : i32
      %get3A_299 = arith.index_cast %get3A_297 : i32 to index
      %get3A_300 = arith.index_cast %get3A_298 : i32 to index
      %get3A_301 = arith.index_cast %mul3A_86 : i32 to index
      %get3A_302 = tpu.vector_load %arg5[%get3A_299, %get3A_300, %get3A_301] {strides = array<i32>} : memref<4x4x2048xf32, #tpu.memory_space<vmem>>, vector<1x1x16xf32>,
      %get3A_303 = vector.shape_cast %get3A_302 : vector<1x1x16xf32> to vector<16xf32>
      %add3A_304 = arith.addf %get3A_303, %get3A_296 : vector<16xf32>
      %swap3A_305 = arith.constant 3 : i32
      %swap3A_306 = arith.constant 0 : i32
      %swap3A_307 = arith.index_cast %swap3A_305 : i32 to index
      %swap3A_308 = arith.index_cast %swap3A_306 : i32 to index
      %swap3A_309 = arith.index_cast %mul3A_86 : i32 to index
      %swap3A_310 = tpu.vector_load %arg5[%swap3A_307, %swap3A_308, %swap3A_309] {strides = array<i32>} : memref<4x4x2048xf32, #tpu.memory_space<vmem>>, vector<1x1x16xf32>,
      %swap3A_311 = vector.shape_cast %swap3A_310 : vector<1x1x16xf32> to vector<16xf32>
      %swap3A_312 = vector.shape_cast %add3A_304 : vector<16xf32> to vector<1x1x16xf32>
      tpu.vector_store %arg5[%swap3A_307, %swap3A_308, %swap3A_309], %swap3A_312 {strides = array<i32>} : memref<4x4x2048xf32, #tpu.memory_space<vmem>>, vector<1x1x16xf32>,
      %get3A_313 = arith.constant 3 : i32
      %get3A_314 = arith.constant 1 : i32
      %get3A_315 = arith.index_cast %get3A_313 : i32 to index
      %get3A_316 = arith.index_cast %get3A_314 : i32 to index
      %get3A_317 = arith.index_cast %mul3A_86 : i32 to index
      %get3A_318 = tpu.vector_load %arg5[%get3A_315, %get3A_316, %get3A_317] {strides = array<i32>} : memref<4x4x2048xf32, #tpu.memory_space<vmem>>, vector<1x1x16xf32>,
      %get3A_319 = vector.shape_cast %get3A_318 : vector<1x1x16xf32> to vector<16xf32>
      %add3A_320 = arith.addf %get3A_319, %get3A_296 : vector<16xf32>
      %swap3A_321 = arith.constant 3 : i32
      %swap3A_322 = arith.constant 1 : i32
      %swap3A_323 = arith.index_cast %swap3A_321 : i32 to index
      %swap3A_324 = arith.index_cast %swap3A_322 : i32 to index
      %swap3A_325 = arith.index_cast %mul3A_86 : i32 to index
      %swap3A_326 = tpu.vector_load %arg5[%swap3A_323, %swap3A_324, %swap3A_325] {strides = array<i32>} : memref<4x4x2048xf32, #tpu.memory_space<vmem>>, vector<1x1x16xf32>,
      %swap3A_327 = vector.shape_cast %swap3A_326 : vector<1x1x16xf32> to vector<16xf32>
      %swap3A_328 = vector.shape_cast %add3A_320 : vector<16xf32> to vector<1x1x16xf32>
      tpu.vector_store %arg5[%swap3A_323, %swap3A_324, %swap3A_325], %swap3A_328 {strides = array<i32>} : memref<4x4x2048xf32, #tpu.memory_space<vmem>>, vector<1x1x16xf32>,
      %get3A_329 = arith.constant 3 : i32
      %get3A_330 = arith.constant 2 : i32
      %get3A_331 = arith.index_cast %get3A_329 : i32 to index
      %get3A_332 = arith.index_cast %get3A_330 : i32 to index
      %get3A_333 = arith.index_cast %mul3A_86 : i32 to index
      %get3A_334 = tpu.vector_load %arg5[%get3A_331, %get3A_332, %get3A_333] {strides = array<i32>} : memref<4x4x2048xf32, #tpu.memory_space<vmem>>, vector<1x1x16xf32>,
      %get3A_335 = vector.shape_cast %get3A_334 : vector<1x1x16xf32> to vector<16xf32>
      %add3A_336 = arith.addf %get3A_335, %get3A_296 : vector<16xf32>
      %swap3A_337 = arith.constant 3 : i32
      %swap3A_338 = arith.constant 2 : i32
      %swap3A_339 = arith.index_cast %swap3A_337 : i32 to index
      %swap3A_340 = arith.index_cast %swap3A_338 : i32 to index
      %swap3A_341 = arith.index_cast %mul3A_86 : i32 to index
      %swap3A_342 = tpu.vector_load %arg5[%swap3A_339, %swap3A_340, %swap3A_341] {strides = array<i32>} : memref<4x4x2048xf32, #tpu.memory_space<vmem>>, vector<1x1x16xf32>,
      %swap3A_343 = vector.shape_cast %swap3A_342 : vector<1x1x16xf32> to vector<16xf32>
      %swap3A_344 = vector.shape_cast %add3A_336 : vector<16xf32> to vector<1x1x16xf32>
      tpu.vector_store %arg5[%swap3A_339, %swap3A_340, %swap3A_341], %swap3A_344 {strides = array<i32>} : memref<4x4x2048xf32, #tpu.memory_space<vmem>>, vector<1x1x16xf32>,
      %get3A_345 = arith.constant 3 : i32
      %get3A_346 = arith.constant 3 : i32
      %get3A_347 = arith.index_cast %get3A_345 : i32 to index
      %get3A_348 = arith.index_cast %get3A_346 : i32 to index
      %get3A_349 = arith.index_cast %mul3A_86 : i32 to index
      %get3A_350 = tpu.vector_load %arg5[%get3A_347, %get3A_348, %get3A_349] {strides = array<i32>} : memref<4x4x2048xf32, #tpu.memory_space<vmem>>, vector<1x1x16xf32>,
      %get3A_351 = vector.shape_cast %get3A_350 : vector<1x1x16xf32> to vector<16xf32>
      %add3A_352 = arith.addf %get3A_351, %get3A_296 : vector<16xf32>
      %swap3A_353 = arith.constant 3 : i32
      %swap3A_354 = arith.constant 3 : i32
      %swap3A_355 = arith.index_cast %swap3A_353 : i32 to index
      %swap3A_356 = arith.index_cast %swap3A_354 : i32 to index
      %swap3A_357 = arith.index_cast %mul3A_86 : i32 to index
      %swap3A_358 = tpu.vector_load %arg5[%swap3A_355, %swap3A_356, %swap3A_357] {strides = array<i32>} : memref<4x4x2048xf32, #tpu.memory_space<vmem>>, vector<1x1x16xf32>,
      %swap3A_359 = vector.shape_cast %swap3A_358 : vector<1x1x16xf32> to vector<16xf32>
      %swap3A_360 = vector.shape_cast %add3A_352 : vector<16xf32> to vector<1x1x16xf32>
      tpu.vector_store %arg5[%swap3A_355, %swap3A_356, %swap3A_357], %swap3A_360 {strides = array<i32>} : memref<4x4x2048xf32, #tpu.memory_space<vmem>>, vector<1x1x16xf32>,
    }
    %scan3A_47 = arith.constant 128 : i32
    %add3A_48 = arith.constant 60 : i32
    %add3A_49 = arith.addi %mul3A_2, %add3A_48 : i32
    %dma_start3A_50 = arith.constant 0 : i32
    %dma_start3A_51 = arith.constant 0 : i32
    %dma_start3A_52 = tpu.memref_slice %arg4[%add3A_49, %dma_start3A_50, %dma_start3A_51] : memref<2048x4x2048xf32, #tpu.memory_space<hbm>> -> memref<4x4x2048xf32, #tpu.memory_space<hbm>>
    %dma_start3A_53 = arith.constant 0 : i32
    %dma_start3A_54 = arith.constant 0 : i32
    %dma_start3A_55 = tpu.memref_slice %arg4[%add3A_49, %dma_start3A_53, %dma_start3A_54] : memref<2048x4x2048xf32, #tpu.memory_space<hbm>> -> memref<4x4x2048xf32, #tpu.memory_space<hbm>>
    tpu.enqueue_dma source(%arg5 : memref<4x4x2048xf32, #tpu.memory_space<vmem>>) target(%dma_start3A_55 : memref<4x4x2048xf32, #tpu.memory_space<hbm>>) target_semaphore(%arg17 : memref<!tpu.dma_semaphore, #tpu.memory_space<semaphore_mem>>)
    %dma_wait3A_56 = arith.constant 0 : i32
    %dma_wait3A_57 = arith.constant 0 : i32
    %dma_wait3A_58 = arith.constant 0 : i32
    %dma_wait3A_59 = tpu.memref_slice %arg4[%dma_wait3A_56, %dma_wait3A_57, %dma_wait3A_58] : memref<2048x4x2048xf32, #tpu.memory_space<hbm>> -> memref<4x4x2048xf32, #tpu.memory_space<hbm>>
    %dma_wait3A_60 = arith.constant 0 : i32
    %dma_wait3A_61 = arith.constant 0 : i32
    %dma_wait3A_62 = arith.constant 0 : i32
    %dma_wait3A_63 = tpu.memref_slice %arg4[%dma_wait3A_60, %dma_wait3A_61, %dma_wait3A_62] : memref<2048x4x2048xf32, #tpu.memory_space<hbm>> -> memref<4x4x2048xf32, #tpu.memory_space<hbm>>
    tpu.wait_dma2 semaphore(%arg18 : memref<!tpu.dma_semaphore, #tpu.memory_space<semaphore_mem>>) src(%arg6 : memref<4x4x2048xf32, #tpu.memory_space<vmem>>) dst(%dma_wait3A_63 : memref<4x4x2048xf32, #tpu.memory_space<hbm>>)
    %dma_wait3A_64 = arith.constant 0 : i32
    %dma_wait3A_65 = arith.constant 0 : i32
    %dma_wait3A_66 = arith.constant 0 : i32
    %dma_wait3A_67 = tpu.memref_slice %arg4[%dma_wait3A_64, %dma_wait3A_65, %dma_wait3A_66] : memref<2048x4x2048xf32, #tpu.memory_space<hbm>> -> memref<4x4x2048xf32, #tpu.memory_space<hbm>>
    %dma_wait3A_68 = arith.constant 0 : i32
    %dma_wait3A_69 = arith.constant 0 : i32
    %dma_wait3A_70 = arith.constant 0 : i32
    %dma_wait3A_71 = tpu.memref_slice %arg4[%dma_wait3A_68, %dma_wait3A_69, %dma_wait3A_70] : memref<2048x4x2048xf32, #tpu.memory_space<hbm>> -> memref<4x4x2048xf32, #tpu.memory_space<hbm>>
    tpu.wait_dma2 semaphore(%arg19 : memref<!tpu.dma_semaphore, #tpu.memory_space<semaphore_mem>>) src(%arg7 : memref<4x4x2048xf32, #tpu.memory_space<vmem>>) dst(%dma_wait3A_71 : memref<4x4x2048xf32, #tpu.memory_space<hbm>>)
    %dma_wait3A_72 = arith.constant 0 : i32
    %dma_wait3A_73 = arith.constant 0 : i32
    %dma_wait3A_74 = arith.constant 0 : i32
    %dma_wait3A_75 = tpu.memref_slice %arg4[%dma_wait3A_72, %dma_wait3A_73, %dma_wait3A_74] : memref<2048x4x2048xf32, #tpu.memory_space<hbm>> -> memref<4x4x2048xf32, #tpu.memory_space<hbm>>
    %dma_wait3A_76 = arith.constant 0 : i32
    %dma_wait3A_77 = arith.constant 0 : i32
    %dma_wait3A_78 = arith.constant 0 : i32
    %dma_wait3A_79 = tpu.memref_slice %arg4[%dma_wait3A_76, %dma_wait3A_77, %dma_wait3A_78] : memref<2048x4x2048xf32, #tpu.memory_space<hbm>> -> memref<4x4x2048xf32, #tpu.memory_space<hbm>>
    tpu.wait_dma2 semaphore(%arg17 : memref<!tpu.dma_semaphore, #tpu.memory_space<semaphore_mem>>) src(%arg5 : memref<4x4x2048xf32, #tpu.memory_space<vmem>>) dst(%dma_wait3A_79 : memref<4x4x2048xf32, #tpu.memory_space<hbm>>)
    return
  }
}

</mosaic_0001>

<sc_bundles>
// kernel: kernel.3.cloned.1.call-start
scs
__scs_entry_jumppad:
0x0: {  	(pc) =	sbr.rel $0x88, $3  }
0x1: {  	(tag) =	ssettag $0x0;
	lr =	simm.s32 $0x1  }
0x2: {  	[smem:$0x3F9F] =	sst lr;
	_ =	strace $0xD0000000  }
0x3: {  	_ = 	snop  }
0x4: {  	_ = 	snop  }
0x5: {  	_ = 	snop  }
0x6: {  	_ = 	snop  }
0x7: {  	_ = 	snop  }
__scs_overlays_trampoline_lowered:
0x8: {  	[smem:$0x3FAE] =	sst s0  }
0x9: {  	[smem:$0x3FAF] =	sst s1  }
0xa: {  	[smem:$0x3FB0] =	sst s2  }
0xb: {  	[smem:$0x3FB1] =	sst s3  }
0xc: {  	[smem:$0x3FB2] =	sst s4  }
0xd: {  	[smem:$0x3FB3] =	sst s5  }
0xe: {  	[smem:$0x3FB4] =	sst s6  }
0xf: {  	[smem:$0x3FB5] =	sst s7  }
0x10: {  	[smem:$0x3FB6] =	sst s8  }
0x11: {  	[smem:$0x3FB7] =	sst s9;
	s0 =	simm.s32 @!p0 $0x0  }
0x12: {  	s1 =	sld [smem:$0x3F9D];
	s0 =	simm.s32 @p0 $0x1  }
0x13: {  	[smem:$0x3FB8] =	sst s0;
	s0 =	simm.s32 @!p1 $0x0  }
0x14: {  	s2 =	sld [smem:$0x3F9C];
	s0 =	simm.s32 @p1 $0x1  }
0x15: {  	[smem:$0x3FB9] =	sst s0;
	s0 =	simm.s32 @!p2 $0x0  }
0x16: {  	s3 =	sld [smem:$0x3FDB];
	s0 =	simm.s32 @p2 $0x1  }
0x17: {  	s4 =	simm.s32 $0x1BF5;
	[smem:$0x3FBB] =	sst s0  }
0x18: {  	s0 =	sld [smem:$0x3F9E];
	_ =	swait.ge [sflag:s4], $0x0  }
0x19: {  	s7 =	sld [smem:$0x3F9F]  }
0x1a: {  	s8 =	sadd.s32 $0xFFFFE003, lr  }
0x1b: {  	s9 =	sadd.s32 $0xFFFFFEF7, lr;
	s5 =	simm.s32 $0xFFFFFFFF;
	p2 =	slt.u32 s8, $0xFFFFF086  }
0x1c: {  	p1 =	slt.u32 s9, $0xF7A;
	s5 =	simm.s32 @!p2 $0x0  }
0x1d: {  	s5 =	simm.s32 @p1 $0x1;
	p0 =	seq.s32 s7, s2  }
0x1e: {  	s7 =	smul.u32 @!p0 $0xF7A, s2;
	p2 =	seq.s32 @!p0 s5, $0x0  }
0x1f: {  	s9 =	smul.u32 $0xF7A, s1;
	s8 =	simm.s32 @!p0 $0x1BF5;
	p2 =	por !p2, p0  }
0x20: {  	[sflag:s8] =	ssyncset.s32 @!p0 $0xFFFFF086;
	s6 =	sadd.s32 @!p0 s3, s7;
	s7 =	simm.s32 @!p0 $0x108  }
0x21: {  	s3 =	sadd.s32 s3, s9;
	s6 =	sadd.s32 @!p0 $0x88, s6;
	s7 =	simm.s32 @p2 $0x1082  }
0x22: {  	[simem:s7], [sflag:s8] =	dma.local @!p0 [hbm:s6], $0xF7A  }
0x23: {  	s9 =	sor.u32 $0xD0000000, s2;
	s6 =	simm.s32 $0x108;
	_ =	swait.ge @!p0 [sflag:s8], $0x0  }
0x24: {  	s3 =	sadd.s32 $0x88, s3;
	s6 =	simm.s32 @!p1 $0x1082;
	[sflag:s4] =	ssyncset.s32 $0xFFFFF086  }
0x25: {  	[simem:s6], [sflag:s4] =	dma.local [hbm:s3], $0xF7A  }
0x26: {  	[smem:$0x3F9F] =	sst s1;
	(tag) =	ssettag s2;
	_ =	strace s9  }
0x27: {  	s1 =	sld [smem:$0x3FAF]  }
0x28: {  	s2 =	sld [smem:$0x3FB0]  }
0x29: {  	s4 =	sld [smem:$0x3FB2]  }
0x2a: {  	p0 =	seq.s32 s5, $0x0;
	s5 =	sld [smem:$0x3FB3]  }
0x2b: {  	s6 =	sld [smem:$0x3FB4]  }
0x2c: {  	s7 =	sld [smem:$0x3FB5]  }
0x2d: {  	s3 =	simm.s32 $0x108;
	s8 =	sld [smem:$0x3FB6]  }
0x2e: {  	s3 =	simm.s32 @!p0 $0x1082;
	s9 =	sld [smem:$0x3FB7]  }
0x2f: {  	lr =	sadd.s32 s0, s3;
	s0 =	sld [smem:$0x3FAE]  }
0x30: {  	s3 =	sld [smem:$0x3FB1]  }
0x31: {  	[smem:$0x3FBA] =	sst s10  }
0x32: {  	s10 =	sld [smem:$0x3FB8];
	_ =	sdelay $0x3  }
0x33: {  	p0 =	seq.s32 s10, $0x1;
	s10 =	sld [smem:$0x3FBA];
	_ =	sdelay $0x3  }
0x34: {  	[smem:$0x3FBA] =	sst s10  }
0x35: {  	s10 =	sld [smem:$0x3FB9];
	_ =	sdelay $0x3  }
0x36: {  	p1 =	seq.s32 s10, $0x1;
	s10 =	sld [smem:$0x3FBA];
	_ =	sdelay $0x3  }
0x37: {  	[smem:$0x3FBA] =	sst s10  }
0x38: {  	s10 =	sld [smem:$0x3FBB]  }
0x39: {  	_ = 	snop;
	(pc) =	sbr.ind lr, $3  }
0x3a: {  	_ = 	snop  }
0x3b: {  	_ = 	snop  }
0x3c: {  	p2 =	seq.s32 s10, $0x1;
	s10 =	sld [smem:$0x3FBA]  }
0x3d: {  	_ =	shalt  }
0x3e: {  	_ =	shalt  }
0x3f: {  	_ =	shalt  }
0x40: {  	_ =	shalt  }
0x41: {  	_ =	shalt  }
0x42: {  	_ =	shalt  }
0x43: {  	_ =	shalt  }
0x44: {  	_ =	shalt  }
0x45: {  	_ =	shalt  }
0x46: {  	_ =	shalt  }
0x47: {  	_ =	shalt  }
0x48: {  	_ =	shalt  }
0x49: {  	_ =	shalt  }
0x4a: {  	_ =	shalt  }
0x4b: {  	_ =	shalt  }
0x4c: {  	_ =	shalt  }
0x4d: {  	_ =	shalt  }
0x4e: {  	_ =	shalt  }
0x4f: {  	_ =	shalt  }
0x50: {  	_ =	shalt  }
0x51: {  	_ =	shalt  }
0x52: {  	_ =	shalt  }
0x53: {  	_ =	shalt  }
0x54: {  	_ =	shalt  }
0x55: {  	_ =	shalt  }
0x56: {  	_ =	shalt  }
0x57: {  	_ =	shalt  }
0x58: {  	_ =	shalt  }
0x59: {  	_ =	shalt  }
0x5a: {  	_ =	shalt  }
0x5b: {  	_ =	shalt  }
0x5c: {  	_ =	shalt  }
0x5d: {  	_ =	shalt  }
0x5e: {  	_ =	shalt  }
0x5f: {  	_ =	shalt  }
0x60: {  	_ =	shalt  }
0x61: {  	_ =	shalt  }
0x62: {  	_ =	shalt  }
0x63: {  	_ =	shalt  }
0x64: {  	_ =	shalt  }
0x65: {  	_ =	shalt  }
0x66: {  	_ =	shalt  }
0x67: {  	_ =	shalt  }
0x68: {  	_ =	shalt  }
0x69: {  	_ =	shalt  }
0x6a: {  	_ =	shalt  }
0x6b: {  	_ =	shalt  }
0x6c: {  	_ =	shalt  }
0x6d: {  	_ =	shalt  }
0x6e: {  	_ =	shalt  }
0x6f: {  	_ =	shalt  }
0x70: {  	_ =	shalt  }
0x71: {  	_ =	shalt  }
0x72: {  	_ =	shalt  }
0x73: {  	_ =	shalt  }
0x74: {  	_ =	shalt  }
0x75: {  	_ =	shalt  }
0x76: {  	_ =	shalt  }
0x77: {  	_ =	shalt  }
0x78: {  	_ =	shalt  }
0x79: {  	_ =	shalt  }
0x7a: {  	_ =	shalt  }
0x7b: {  	_ =	shalt  }
0x7c: {  	_ =	shalt  }
0x7d: {  	_ =	shalt  }
0x7e: {  	_ =	shalt  }
0x7f: {  	_ =	shalt  }
0x80: {  	_ =	shalt  }
0x81: {  	_ =	shalt  }
0x82: {  	_ =	shalt  }
0x83: {  	_ =	shalt  }
0x84: {  	_ =	shalt  }
0x85: {  	_ =	shalt  }
0x86: {  	_ =	shalt  }
0x87: {  	_ =	shalt  }
.Lfunc_end0:
.L_simem_size_0:
called_computation_lowered:
.L_overlay_start_0:
0x88: {  	s2 =	sld [smem:$0x3FD9]  }
0x89: {  	s3 =	sld [smem:$0x3FFE];
	_ =	sdelay $0x1  }
0x8a: {  	s1 =	srdreg.scid  }
0x8b: {  	s0 =	sand.u32 $0x1, s1  }
0x8c: {  	s18 =	sshll.u32 s0, $0xA;
	s2 =	sadd.s32 s3, s2  }
0x8d: {  	s2 =	sadd.s32 s2, s18  }
0x8e: {  	[smem:$0x3FC6] =	sst s2  }
0x8f: {  	_ = 	snop  }
0x90: {  	s2 =	sld [smem:$0x3FC9]  }
0x91: {  	s19 =	sld [smem:$0x3FC8]  }
0x92: {  	s4 =	sld [smem:$0x3FD0];
	(tm) =	ssettm $0x1  }
0x93: {  	s5 =	sld [smem:$0x3FFB];
	_ =	sdelay $0x3  }
0x94: {  	_ =	strace s5  }
0x95: {  	s5 =	sld [smem:$0x3FFC];
	_ =	sdelay $0x3  }
0x96: {  	_ =	strace s5  }
0x97: {  	s5 =	sld [smem:$0x3FFD];
	_ =	sdelay $0x3  }
0x98: {  	_ =	strace s5  }
0x99: {  	_ =	strace $0x8FFFFFFF  }
0x9a: {  	s20 =	sld [smem:$0x3FDB];
	_ =	sdelay $0x1  }
0x9b: {  	s6 =	simm.s32 $_scs_section_size  }
0x9c: {  	s7 =	simm.s32 $_size__tile_overlayer_lowered;
	s8 =	simm.s32 $_tile_overlayer_lowered  }
0x9d: {  	s23 =	simm.s32 $0x1BFF;
	s22 =	sshll.u32 s8, $0x1;
	s5 =	sadd.s32 s6, s20  }
0x9e: {  	s9 =	simm.s32 $0x0;
	s21 =	sshll.u32 s7, $0x1;
	s7 =	sadd.s32 s22, s5  }
0x9f: {  	[timem:s9], [sflag:s23] =	dma.local [hbm:s7], s21  }
0xa0: {  	_ =	swait.ge [sflag:s23], s21  }
0xa1: {  	s6 =	ssub.s32 $0x0, s21;
	[sflag:s23] =	ssyncset.done $0x0  }
0xa2: {  	[sflag:s23] =	ssyncadd.s32 s6;
	_ =	sdelay $0x1  }
0xa3: {  	s24 =	simm.s32 $0x1B8B  }
0xa4: {  	_ =	swait.ge [sflag:s24], $0x1  }
0xa5: {  	[sflag:s24] =	ssyncset.done $0x0  }
0xa6: {  	s25 =	simm.s32 $0x1B8E;
	[sflag:s24] =	ssyncadd.s32 $0xFFFFFFFF  }
0xa7: {  	s26 =	simm.s32 $execute0_lowered;
	[smem:$0x3FD2] =	sst s25  }
0xa8: {  	s6 =	sshll.u32 s26, $0x1;
	_ =	strace $0x80000046;
	[dreg:$0x1] =	wrdreg $0xFFFFFFFF  }
0xa9: {  	s28 =	simm.s32 $_size_execute0_lowered;
	s5 =	sadd.s32 s5, s6;
	[dreg:$0x0] =	wrdreg $0x0  }
0xaa: {  	s6 =	sshll.u32 s28, $0x1;
	[dreg:$0x2] =	wrdreg s5  }
0xab: {  	[dreg:$0x3] =	wrdreg s6  }
0xac: {  	[dreg:$0x4] =	wrdreg $0xC0  }
0xad: {  	_ =	task [dreg:s9], $0x5FFFF  }
0xae: {  	[dreg:$0x1] =	wrdreg $0xFFFFFFFF  }
0xaf: {  	[dreg:$0x0] =	wrdreg $0x60  }
0xb0: {  	[dreg:$0x2] =	wrdreg s2  }
0xb1: {  	[dreg:$0x3] =	wrdreg s19  }
0xb2: {  	[dreg:$0x4] =	wrdreg s4  }
0xb3: {  	[dreg:$0x5] =	wrdreg $0x9  }
0xb4: {  	_ =	task.clear_ibuf [dreg:s9], $0x6FFFF;
	_ =	strace $0x90000046  }
0xb5: {  	s29 =	simm.s32 $0x9;
	_ =	strace $0x80000048  }
0xb6: {  	_ =	swait.ge [sflag:s29], $0x1  }
0xb7: {  	[sflag:s29] =	ssyncadd.s32 $0xFFFFFFFF  }
0xb8: {  	_ =	strace $0x90000048  }
0xb9: {  	_ =	sfence  }
0xba: {  	s30 =	sld [smem:$0x0];
	_ =	sdelay $0x2  }
0xbb: {  	s31 =	sshll.u32 s1, $0xD;
	s1 =	sshrl.u32 s1, $0x2  }
0xbc: {  	s3 =	sand.u32 $0x4000, s31;
	s1 =	sadd.s32 s1, s30  }
0xbd: {  	s0 =	sor.u32 s3, s0;
	s1 =	sshll.u32 s1, $0x11  }
0xbe: {  	s0 =	sor.u32 s1, s0  }
0xbf: {  	s0 =	sadd.s32 $0x8F2B, s0  }
0xc0: {  	[sflag:s0] =	ssyncadd.remote.s32 $0x1  }
0xc1: {  	_ =	sfence.sel $0xFFFF  }
0xc2: {  	[dreg:$0x0] =	wrdreg $0xFFFFFFFF;
	(pc) =	sbr.abs _section_cstart, $3  }
0xc3: {  	[dreg:$0x1] =	wrdreg $0xFFFFFFFF  }
0xc4: {  	_ =	task.clear_ibuf [dreg:s9], $0x2FFFF;
	_ =	strace $0x9FFFFFFF  }
0xc5: {  	(tm) =	ssettm $0x7FFFFFFF  }
tec
execute0_lowered:
.L_overlay_start_1:
0x0: {  	(tag) =	ssettag $0x1  }
0x1: {  	s1 =	rddreg [dreg:$0x0]  }
0x2: {  	s2 =	rddreg [dreg:$0x1]  }
0x3: {  	s4 =	rddreg [dreg:$0x2];
	s0 =	srdreg.scid  }
0x4: {  	s5 =	simm.s32 $0x0;
	s3 =	stileid.u32;
	s16 =	simm.s32 $0x200  }
0x5: {  	s17 =	simm.s32 $0x400;
	s18 =	simm.s32 $0x18000;
	s19 =	simm.s32 $0x8000  }
0x6: {  	s21 =	simm.s32 $0x10000;
	s22 =	simm.s32 $0x1C000;
	s23 =	simm.s32 $0x1  }
0x7: {  	s28 =	simm.s32 $0x5;
	s29 =	simm.s32 $0x3;
	s0 =	sand.u32 $0x1, s0  }
0x8: {  	s30 =	simm.s32 $0x6;
	s3 =	sshll.u32 s3, $0x7;
	s6 =	sshll.u32 s0, $0x6  }
0x9: {  	[smem:$0x7FF] =	sst s5;
	s0 =	ssub.s32 $0x2, s0;
	s6 =	sor.u32 s6, s3  }
0xa: {  	_ =	strace $0x80000047;
	s24 =	sshrl.u32 s0, $0x1;
	s7 =	sshll.u32 s6, $0xA  }
0xb: {  	s8 =	sshll.u32 s6, $0x8;
	s0 =	ssub.s32 s0, s24;
	s25 =	sadd.s32 s1, s7  }
0xc: {  	s12 =	sor.u32 $0x4, s6;
	s8 =	sadd.s32 s2, s8;
	[dreg:$0x4] =	wrdreg s25  }
0xd: {  	s13 =	sor.u32 $0x10, s6;
	s0 =	smax.u32 s0, $0x1;
	[dreg:$0x5] =	wrdreg s8  }
0xe: {  	s24 =	simm.s32 $0x4;
	s3 =	sadd.s32 $0x1000, s25;
	[dreg:$0x9] =	wrdreg s0  }
0xf: {  	s11 =	sadd.s32 s4, s7;
	s26 =	sadd.s32 $0x40, s8;
	[dreg:$0x6] =	wrdreg s3  }
0x10: {  	s31 =	sadd.s32 $0xF000, s11;
	s25 =	simm.s32 $0x7;
	[dreg:$0x7] =	wrdreg s26  }
0x11: {  	[dreg:$0x8] =	wrdreg s31;
	s26 =	simm.s32 $0x2;
	s3 =	simm.s32 $0x0  }
.LBB2_1:
0x12: {  	s0 =	rddreg [dreg:$0x4]  }
0x13: {  	[tilespmem:s5], [sflag:$0x1] =	stream.linear.gather [hbm4b:s0+s5], $0x8000, $0x38;
	[tilespmem:$0x1E000] =	vst v63  }
0x14: {  	s15 =	rddreg [dreg:$0x5]  }
0x15: {  	[tilespmem:s18], [sflag:$0x4] =	stream.strided.gather [hbm4b:s15+s16], $0x2000, s17, s16, $0x38;
	[tilespmem:$0x1E000] =	vst v63  }
0x16: {  	s20 =	rddreg [dreg:$0x6]  }
0x17: {  	[tilespmem:s19], [sflag:$0x2] =	stream.linear.gather [hbm4b:s20+s5], $0x8000, $0x38;
	[tilespmem:$0x1E000] =	vst v63  }
0x18: {  	s31 =	rddreg [dreg:$0x7];
	s7 =	simm.s32 $0x1A000;
	s20 =	simm.s32 $0x0  }
0x19: {  	[tilespmem:s7], [sflag:$0x5] =	stream.strided.gather [hbm4b:s31+s16], $0x2000, s17, s16, $0x38;
	[tilespmem:$0x1E000] =	vst v63  }
.LBB2_2:
0x1a: {  	s15 =	smul.u32 $0x3, s20  }
0x1b: {  	p0 =	seq.s32 s20, $0x0  }
0x1c: {  	s8 =	simm.s32 @!p0 $0x9;
	s9 =	sadd.s32 $0x2, s15  }
0x1d: {  	_ =	swait.ge @!p0 [sflag:s8], $0x8000;
	s7 =	sshll.u32 s9, $0x2  }
0x1e: {  	s14 =	simm.s32 $0x0;
	[sflag:s8] =	ssyncset.done @!p0 $0x0;
	s7 =	sadd.s32 s6, s7  }
0x1f: {  	s0 =	sshll.u32 s20, $0x6;
	[sflag:s8] =	ssyncadd.s32 @!p0 $0xFFFF8000;
	s10 =	sshll.u32 s7, $0xA  }
0x20: {  	s8 =	sand.u32 $0x40, s0;
	s7 =	sshll.u32 s7, $0x8;
	s10 =	sand.u32 $0x1FFFF000, s10  }
0x21: {  	s7 =	sand.u32 $0xFFFF800, s7;
	s31 =	sadd.s32 s1, s10;
	s10 =	sadd.s32 s2, s8  }
0x22: {  	[tilespmem:s21], [sflag:$0x3] =	stream.linear.gather [hbm4b:s31+s14], $0x8000, $0x38;
	[tilespmem:$0x1E000] =	vst v63  }
0x23: {  	s7 =	sadd.s32 s7, s10  }
0x24: {  	[tilespmem:s22], [sflag:$0x6] =	stream.strided.gather [hbm4b:s7+s16], $0x2000, s17, s16, $0x38;
	[tilespmem:$0x1E000] =	vst v63  }
0x25: {  	_ =	swait.ge [sflag:s23], $0x8000  }
0x26: {  	[sflag:s23] =	ssyncset.done $0x0  }
0x27: {  	[sflag:s23] =	ssyncadd.s32 $0xFFFF8000  }
0x28: {  	_ =	swait.ge [sflag:s24], $0x2000  }
0x29: {  	s8 =	sand.u32 $0x70, s14;
	s31 =	sand.u32 $0x1E00, s14;
	[sflag:s24] =	ssyncset.done $0x0  }
0x2a: {  	s7 =	sor.u32 s8, s31;
	[sflag:s24] =	ssyncadd.s32 $0xFFFFE000  }
0x2b: {  	v2 =	vld [tilespmem:s7+$0x18000]  }
0x2c: {  	v6 =	vld [tilespmem:s7+$0x18080]  }
0x2d: {  	v1 =	vld [tilespmem:s7+$0x18100]  }
0x2e: {  	v0 =	vld [tilespmem:s7+$0x18180]  }
0x2f: {  	v3 =	vld [tilespmem:s7+$0x0]  }
0x30: {  	v4 =	vld [tilespmem:s7+$0x80]  }
0x31: {  	v5 =	vld [tilespmem:s7+$0x100]  }
0x32: {  	v7 =	vld [tilespmem:s7+$0x180]  }
0x33: {  	v8 =	vld [tilespmem:s7+$0x2000]  }
0x34: {  	v10 =	vld [tilespmem:s7+$0x2100];
	v3 =	vadd.f32 v3, v2  }
0x35: {  	v9 =	vld [tilespmem:s7+$0x2080];
	v4 =	vadd.f32 v4, v2  }
0x36: {  	v11 =	vld [tilespmem:s7+$0x2180];
	[tilespmem:s7+$0x0] =	vst v3;
	v3 =	vadd.f32 v5, v2  }
0x37: {  	v12 =	vld [tilespmem:s7+$0x4000];
	[tilespmem:s7+$0x80] =	vst v4;
	v2 =	vadd.f32 v7, v2  }
0x38: {  	v5 =	vadd.f32 v8, v6;
	[tilespmem:s7+$0x100] =	vst v3;
	v3 =	vld [tilespmem:s7+$0x4080]  }
0x39: {  	v4 =	vld [tilespmem:s7+$0x4100];
	v8 =	vadd.f32 v10, v6;
	[tilespmem:s7+$0x180] =	vst v2  }
0x3a: {  	v7 =	vadd.f32 v9, v6;
	[tilespmem:s7+$0x2000] =	vst v5;
	v2 =	vld [tilespmem:s7+$0x4180]  }
0x3b: {  	v5 =	vld [tilespmem:s7+$0x6000];
	[tilespmem:s7+$0x2100] =	vst v8;
	v8 =	vadd.f32 v11, v6  }
0x3c: {  	s14 =	simm.s32 $0x40;
	s8 =	simm.s32 $0x10;
	[tilespmem:s7+$0x2080] =	vst v7;
	v7 =	vadd.f32 v12, v1;
	v6 =	vld [tilespmem:s7+$0x6080]  }
.LBB2_3:
0x3d: {  	s31 =	sand.u32 $0x70, s8;
	s0 =	sand.u32 $0x1E00, s14;
	p0 =	sne.s32 s8, $0x7F0;
	[tilespmem:s7+$0x2180] =	vst v8;
	v3 =	vadd.f32 v3, v1;
	v8 =	vld [tilespmem:s7+$0x6100]  }
0x3e: {  	s0 =	sor.u32 s31, s0;
	[tilespmem:s7+$0x4000] =	vst v7;
	v4 =	vadd.f32 v4, v1;
	v7 =	vld [tilespmem:s7+$0x6180]  }
0x3f: {  	v9 =	vld [tilespmem:s0+$0x18000];
	[tilespmem:s7+$0x4080] =	vst v3;
	v2 =	vadd.f32 v2, v1  }
0x40: {  	v10 =	vld [tilespmem:s0+$0x18080];
	[tilespmem:s7+$0x4100] =	vst v4;
	v3 =	vadd.f32 v5, v0  }
0x41: {  	v1 =	vld [tilespmem:s0+$0x18100];
	[tilespmem:s7+$0x4180] =	vst v2;
	v2 =	vadd.f32 v6, v0  }
0x42: {  	v4 =	vld [tilespmem:s0+$0x18180];
	[tilespmem:s7+$0x6000] =	vst v3;
	v3 =	vadd.f32 v8, v0  }
0x43: {  	v5 =	vld [tilespmem:s0+$0x0];
	[tilespmem:s7+$0x6080] =	vst v2;
	v0 =	vadd.f32 v7, v0  }
0x44: {  	v2 =	vld [tilespmem:s0+$0x80];
	[tilespmem:s7+$0x6100] =	vst v3  }
0x45: {  	v3 =	vld [tilespmem:s0+$0x100];
	[tilespmem:s7+$0x6180] =	vst v0;
	s7 =	smov.u32 s0  }
0x46: {  	v6 =	vld [tilespmem:s7+$0x180]  }
0x47: {  	v7 =	vld [tilespmem:s7+$0x2000];
	v0 =	vmov v4  }
0x48: {  	v4 =	vadd.f32 v5, v9;
	v5 =	vld [tilespmem:s7+$0x2080]  }
0x49: {  	v2 =	vadd.f32 v2, v9;
	v8 =	vld [tilespmem:s7+$0x2100]  }
0x4a: {  	[tilespmem:s7+$0x0] =	vst v4;
	v3 =	vadd.f32 v3, v9;
	v11 =	vld [tilespmem:s7+$0x2180]  }
0x4b: {  	[tilespmem:s7+$0x80] =	vst v2;
	v2 =	vadd.f32 v6, v9;
	v6 =	vld [tilespmem:s7+$0x4000]  }
.Ltmp0:
0x4c: {  	[tilespmem:s7+$0x100] =	vst v3;
	v7 =	vadd.f32 v7, v10;
	v3 =	vld [tilespmem:s7+$0x4080];
	(pc) =	sbr.rel @p0 .LBB2_3-.Ltmp0, $4  }
0x4d: {  	[tilespmem:s7+$0x180] =	vst v2;
	v5 =	vadd.f32 v5, v10;
	v4 =	vld [tilespmem:s7+$0x4100]  }
0x4e: {  	[tilespmem:s7+$0x2000] =	vst v7;
	v7 =	vadd.f32 v8, v10;
	v2 =	vld [tilespmem:s7+$0x4180]  }
0x4f: {  	[tilespmem:s7+$0x2080] =	vst v5;
	v8 =	vadd.f32 v11, v10;
	v5 =	vld [tilespmem:s7+$0x6000]  }
0x50: {  	s14 =	sadd.s32 $0x40, s14;
	s8 =	sadd.s32 $0x10, s8;
	[tilespmem:s7+$0x2100] =	vst v7;
	v7 =	vadd.f32 v6, v1;
	v6 =	vld [tilespmem:s7+$0x6080]  }
0x51: {  	[tilespmem:s7+$0x2180] =	vst v8;
	v8 =	vld [tilespmem:s7+$0x6100];
	v3 =	vadd.f32 v3, v1  }
0x52: {  	[tilespmem:s7+$0x4000] =	vst v7;
	v4 =	vadd.f32 v4, v1;
	v7 =	vld [tilespmem:s7+$0x6180]  }
0x53: {  	[tilespmem:s7+$0x4080] =	vst v3;
	v1 =	vadd.f32 v2, v1  }
0x54: {  	[tilespmem:s7+$0x4100] =	vst v4;
	v2 =	vadd.f32 v5, v0  }
0x55: {  	s14 =	smul.u32 $0xC, s20;
	[tilespmem:s7+$0x4180] =	vst v1;
	v1 =	vadd.f32 v6, v0  }
0x56: {  	[tilespmem:s7+$0x6000] =	vst v2;
	v2 =	vadd.f32 v8, v0  }
0x57: {  	s0 =	sadd.s32 s6, s14;
	[tilespmem:s7+$0x6080] =	vst v1;
	v0 =	vadd.f32 v7, v0  }
0x58: {  	s0 =	sshll.u32 s0, $0xA;
	[tilespmem:s7+$0x6100] =	vst v2  }
0x59: {  	s0 =	sadd.s32 s4, s0;
	[tilespmem:s7+$0x6180] =	vst v0;
	s7 =	simm.s32 $0x0  }
0x5a: {  	[hbm4b:s0+s7] =	stream.linear.scatter [tilespmem:s7], [sflag:$0x7], $0x8000, $0x38;
	[tilespmem:$0x1E000] =	vst v63  }
0x5b: {  	s0 =	sadd.s32 $0x3, s15  }
0x5c: {  	s8 =	sshll.u32 s0, $0x2  }
0x5d: {  	_ =	swait.ge [sflag:s25], $0x8000;
	s0 =	sshll.u32 s0, $0x6;
	s8 =	sadd.s32 s6, s8  }
0x5e: {  	[sflag:s25] =	ssyncset.done $0x0;
	s0 =	sand.u32 $0x40, s0;
	s31 =	sshll.u32 s8, $0xA  }
0x5f: {  	[sflag:s25] =	ssyncadd.s32 $0xFFFF8000;
	s8 =	sshll.u32 s8, $0x8;
	s15 =	sand.u32 $0x1FFFF000, s31  }
0x60: {  	s0 =	sadd.s32 s2, s0;
	s8 =	sand.u32 $0xFFFF800, s8;
	s15 =	sadd.s32 s1, s15  }
0x61: {  	[tilespmem:s7], [sflag:$0x1] =	stream.linear.gather [hbm4b:s15+s7], $0x8000, $0x38;
	[tilespmem:$0x1E000] =	vst v63  }
0x62: {  	s0 =	sadd.s32 s8, s0  }
0x63: {  	[tilespmem:s18], [sflag:$0x4] =	stream.strided.gather [hbm4b:s0+s16], $0x2000, s17, s16, $0x38;
	[tilespmem:$0x1E000] =	vst v63  }
0x64: {  	_ =	swait.ge [sflag:s26], $0x8000  }
0x65: {  	[sflag:s26] =	ssyncset.done $0x0  }
0x66: {  	[sflag:s26] =	ssyncadd.s32 $0xFFFF8000  }
0x67: {  	_ =	swait.ge [sflag:s28], $0x2000  }
0x68: {  	s31 =	sand.u32 $0x70, s7;
	s7 =	sand.u32 $0x1E00, s7;
	[sflag:s28] =	ssyncset.done $0x0  }
0x69: {  	s7 =	sor.u32 s31, s7;
	[sflag:s28] =	ssyncadd.s32 $0xFFFFE000  }
0x6a: {  	v2 =	vld [tilespmem:s7+$0x1A000]  }
0x6b: {  	v6 =	vld [tilespmem:s7+$0x1A080]  }
0x6c: {  	v1 =	vld [tilespmem:s7+$0x1A100]  }
0x6d: {  	v0 =	vld [tilespmem:s7+$0x1A180]  }
0x6e: {  	v3 =	vld [tilespmem:s7+$0x8000]  }
0x6f: {  	v4 =	vld [tilespmem:s7+$0x8080]  }
0x70: {  	v5 =	vld [tilespmem:s7+$0x8100]  }
0x71: {  	v7 =	vld [tilespmem:s7+$0x8180]  }
0x72: {  	v8 =	vld [tilespmem:s7+$0xA000]  }
0x73: {  	v10 =	vld [tilespmem:s7+$0xA100];
	v3 =	vadd.f32 v3, v2  }
0x74: {  	v9 =	vld [tilespmem:s7+$0xA080];
	v4 =	vadd.f32 v4, v2  }
0x75: {  	v11 =	vld [tilespmem:s7+$0xA180];
	[tilespmem:s7+$0x8000] =	vst v3;
	v3 =	vadd.f32 v5, v2  }
0x76: {  	v12 =	vld [tilespmem:s7+$0xC000];
	[tilespmem:s7+$0x8080] =	vst v4;
	v2 =	vadd.f32 v7, v2  }
0x77: {  	v5 =	vadd.f32 v8, v6;
	[tilespmem:s7+$0x8100] =	vst v3;
	v3 =	vld [tilespmem:s7+$0xC080]  }
0x78: {  	v4 =	vld [tilespmem:s7+$0xC100];
	v8 =	vadd.f32 v10, v6;
	[tilespmem:s7+$0x8180] =	vst v2  }
0x79: {  	v7 =	vadd.f32 v9, v6;
	[tilespmem:s7+$0xA000] =	vst v5;
	v2 =	vld [tilespmem:s7+$0xC180]  }
0x7a: {  	v5 =	vld [tilespmem:s7+$0xE000];
	[tilespmem:s7+$0xA100] =	vst v8;
	v8 =	vadd.f32 v11, v6  }
0x7b: {  	s8 =	simm.s32 $0x10;
	s15 =	simm.s32 $0x40;
	[tilespmem:s7+$0xA080] =	vst v7;
	v7 =	vadd.f32 v12, v1;
	v6 =	vld [tilespmem:s7+$0xE080]  }
.LBB2_5:
0x7c: {  	s0 =	sand.u32 $0x70, s8;
	s31 =	sand.u32 $0x1E00, s15;
	p0 =	sne.s32 s8, $0x7F0;
	[tilespmem:s7+$0xA180] =	vst v8;
	v3 =	vadd.f32 v3, v1;
	v8 =	vld [tilespmem:s7+$0xE100]  }
0x7d: {  	s0 =	sor.u32 s0, s31;
	[tilespmem:s7+$0xC000] =	vst v7;
	v4 =	vadd.f32 v4, v1;
	v7 =	vld [tilespmem:s7+$0xE180]  }
0x7e: {  	v9 =	vld [tilespmem:s0+$0x1A000];
	[tilespmem:s7+$0xC080] =	vst v3;
	v2 =	vadd.f32 v2, v1  }
0x7f: {  	v10 =	vld [tilespmem:s0+$0x1A080];
	[tilespmem:s7+$0xC100] =	vst v4;
	v3 =	vadd.f32 v5, v0  }
0x80: {  	v1 =	vld [tilespmem:s0+$0x1A100];
	[tilespmem:s7+$0xC180] =	vst v2;
	v2 =	vadd.f32 v6, v0  }
0x81: {  	v4 =	vld [tilespmem:s0+$0x1A180];
	[tilespmem:s7+$0xE000] =	vst v3;
	v3 =	vadd.f32 v8, v0  }
0x82: {  	v5 =	vld [tilespmem:s0+$0x8000];
	[tilespmem:s7+$0xE080] =	vst v2;
	v0 =	vadd.f32 v7, v0  }
0x83: {  	v2 =	vld [tilespmem:s0+$0x8080];
	[tilespmem:s7+$0xE100] =	vst v3  }
0x84: {  	v3 =	vld [tilespmem:s0+$0x8100];
	[tilespmem:s7+$0xE180] =	vst v0;
	s7 =	smov.u32 s0  }
0x85: {  	v6 =	vld [tilespmem:s7+$0x8180]  }
0x86: {  	v7 =	vld [tilespmem:s7+$0xA000];
	v0 =	vmov v4  }
0x87: {  	v4 =	vadd.f32 v5, v9;
	v5 =	vld [tilespmem:s7+$0xA080]  }
0x88: {  	v2 =	vadd.f32 v2, v9;
	v8 =	vld [tilespmem:s7+$0xA100]  }
0x89: {  	[tilespmem:s7+$0x8000] =	vst v4;
	v3 =	vadd.f32 v3, v9;
	v11 =	vld [tilespmem:s7+$0xA180]  }
0x8a: {  	[tilespmem:s7+$0x8080] =	vst v2;
	v2 =	vadd.f32 v6, v9;
	v6 =	vld [tilespmem:s7+$0xC000]  }
.Ltmp1:
0x8b: {  	[tilespmem:s7+$0x8100] =	vst v3;
	v7 =	vadd.f32 v7, v10;
	v3 =	vld [tilespmem:s7+$0xC080];
	(pc) =	sbr.rel @p0 .LBB2_5-.Ltmp1, $4  }
0x8c: {  	[tilespmem:s7+$0x8180] =	vst v2;
	v5 =	vadd.f32 v5, v10;
	v4 =	vld [tilespmem:s7+$0xC100]  }
0x8d: {  	[tilespmem:s7+$0xA000] =	vst v7;
	v7 =	vadd.f32 v8, v10;
	v2 =	vld [tilespmem:s7+$0xC180]  }
0x8e: {  	[tilespmem:s7+$0xA080] =	vst v5;
	v8 =	vadd.f32 v11, v10;
	v5 =	vld [tilespmem:s7+$0xE000]  }
0x8f: {  	s15 =	sadd.s32 $0x40, s15;
	s8 =	sadd.s32 $0x10, s8;
	[tilespmem:s7+$0xA100] =	vst v7;
	v7 =	vadd.f32 v6, v1;
	v6 =	vld [tilespmem:s7+$0xE080]  }
0x90: {  	[tilespmem:s7+$0xA180] =	vst v8;
	v8 =	vld [tilespmem:s7+$0xE100];
	v3 =	vadd.f32 v3, v1  }
0x91: {  	[tilespmem:s7+$0xC000] =	vst v7;
	v4 =	vadd.f32 v4, v1;
	v7 =	vld [tilespmem:s7+$0xE180]  }
0x92: {  	[tilespmem:s7+$0xC080] =	vst v3;
	v1 =	vadd.f32 v2, v1  }
0x93: {  	[tilespmem:s7+$0xC100] =	vst v4;
	v2 =	vadd.f32 v5, v0  }
0x94: {  	[tilespmem:s7+$0xC180] =	vst v1;
	v1 =	vadd.f32 v6, v0  }
0x95: {  	[tilespmem:s7+$0xE000] =	vst v2;
	v2 =	vadd.f32 v8, v0  }
0x96: {  	s0 =	sadd.s32 s14, s12;
	[tilespmem:s7+$0xE080] =	vst v1;
	v0 =	vadd.f32 v7, v0  }
0x97: {  	s0 =	sshll.u32 s0, $0xA;
	[tilespmem:s7+$0xE100] =	vst v2  }
0x98: {  	p0 =	seq.s32 s20, $0x4;
	s0 =	sadd.s32 s4, s0;
	[tilespmem:s7+$0xE180] =	vst v0  }
0x99: {  	[hbm4b:s0+s5] =	stream.linear.scatter [tilespmem:s19], [sflag:$0x8], $0x8000, $0x38;
	[tilespmem:$0x1E000] =	vst v63  }
0x9a: {  	s0 =	simm.s32 @!p0 $0x8  }
0x9b: {  	_ =	swait.ge @!p0 [sflag:s0], $0x8000  }
0x9c: {  	s7 =	sadd.s32 @!p0 s14, s13;
	[sflag:s0] =	ssyncset.done @!p0 $0x0  }
0x9d: {  	[sflag:s0] =	ssyncadd.s32 @!p0 $0xFFFF8000;
	s0 =	sshll.u32 @!p0 s7, $0xA  }
0x9e: {  	s8 =	simm.s32 @!p0 $0x0;
	s14 =	simm.s32 @!p0 $0x8000;
	s0 =	sadd.s32 @!p0 s1, s0  }
0x9f: {  	[tilespmem:s14], [sflag:$0x2] =	stream.linear.gather @!p0 [hbm4b:s0+s8], $0x8000, $0x38;
	[tilespmem:$0x1E000] =	vst v63  }
0xa0: {  	s0 =	sshll.u32 @!p0 s7, $0x8  }
0xa1: {  	s7 =	simm.s32 @!p0 $0x200;
	s0 =	sand.u32 @!p0 $0xFF800, s0  }
0xa2: {  	s8 =	simm.s32 @!p0 $0x400;
	s0 =	sadd.s32 @!p0 s0, s10;
	s10 =	simm.s32 @!p0 $0x1A000  }
0xa3: {  	[tilespmem:s10], [sflag:$0x5] =	stream.strided.gather @!p0 [hbm4b:s0+s7], $0x2000, s8, s7, $0x38;
	[tilespmem:$0x1E000] =	vst v63  }
0xa4: {  	_ =	swait.ge [sflag:s29], $0x8000  }
0xa5: {  	[sflag:s29] =	ssyncset.done $0x0  }
0xa6: {  	[sflag:s29] =	ssyncadd.s32 $0xFFFF8000  }
0xa7: {  	s15 =	simm.s32 $0x0;
	_ =	swait.ge [sflag:s30], $0x2000  }
0xa8: {  	s31 =	sand.u32 $0x70, s15;
	s0 =	sand.u32 $0x1E00, s15;
	[sflag:s30] =	ssyncset.done $0x0  }
0xa9: {  	s7 =	sor.u32 s31, s0;
	[sflag:s30] =	ssyncadd.s32 $0xFFFFE000  }
0xaa: {  	v2 =	vld [tilespmem:s7+$0x1C000]  }
0xab: {  	v6 =	vld [tilespmem:s7+$0x1C080]  }
0xac: {  	v1 =	vld [tilespmem:s7+$0x1C100]  }
0xad: {  	v0 =	vld [tilespmem:s7+$0x1C180]  }
0xae: {  	v3 =	vld [tilespmem:s7+$0x10000]  }
0xaf: {  	v4 =	vld [tilespmem:s7+$0x10080]  }
0xb0: {  	v5 =	vld [tilespmem:s7+$0x10100]  }
0xb1: {  	v7 =	vld [tilespmem:s7+$0x10180]  }
0xb2: {  	v8 =	vld [tilespmem:s7+$0x12000]  }
0xb3: {  	v10 =	vld [tilespmem:s7+$0x12100];
	v3 =	vadd.f32 v3, v2  }
0xb4: {  	v9 =	vld [tilespmem:s7+$0x12080];
	v4 =	vadd.f32 v4, v2  }
0xb5: {  	v11 =	vld [tilespmem:s7+$0x12180];
	[tilespmem:s7+$0x10000] =	vst v3;
	v3 =	vadd.f32 v5, v2  }
0xb6: {  	v12 =	vld [tilespmem:s7+$0x14000];
	[tilespmem:s7+$0x10080] =	vst v4;
	v2 =	vadd.f32 v7, v2  }
0xb7: {  	v5 =	vadd.f32 v8, v6;
	[tilespmem:s7+$0x10100] =	vst v3;
	v3 =	vld [tilespmem:s7+$0x14080]  }
0xb8: {  	v4 =	vld [tilespmem:s7+$0x14100];
	v8 =	vadd.f32 v10, v6;
	[tilespmem:s7+$0x10180] =	vst v2  }
0xb9: {  	v7 =	vadd.f32 v9, v6;
	[tilespmem:s7+$0x12000] =	vst v5;
	v2 =	vld [tilespmem:s7+$0x14180]  }
0xba: {  	v5 =	vld [tilespmem:s7+$0x16000];
	[tilespmem:s7+$0x12100] =	vst v8;
	v8 =	vadd.f32 v11, v6  }
0xbb: {  	s10 =	simm.s32 $0x40;
	s8 =	simm.s32 $0x10;
	[tilespmem:s7+$0x12080] =	vst v7;
	v7 =	vadd.f32 v12, v1;
	v6 =	vld [tilespmem:s7+$0x16080]  }
.LBB2_7:
0xbc: {  	s0 =	sand.u32 $0x70, s8;
	s14 =	sand.u32 $0x1E00, s10;
	p0 =	sne.s32 s8, $0x7F0;
	[tilespmem:s7+$0x12180] =	vst v8;
	v3 =	vadd.f32 v3, v1;
	v8 =	vld [tilespmem:s7+$0x16100]  }
0xbd: {  	s0 =	sor.u32 s0, s14;
	[tilespmem:s7+$0x14000] =	vst v7;
	v4 =	vadd.f32 v4, v1;
	v7 =	vld [tilespmem:s7+$0x16180]  }
0xbe: {  	v9 =	vld [tilespmem:s0+$0x1C000];
	[tilespmem:s7+$0x14080] =	vst v3;
	v2 =	vadd.f32 v2, v1  }
0xbf: {  	v10 =	vld [tilespmem:s0+$0x1C080];
	[tilespmem:s7+$0x14100] =	vst v4;
	v3 =	vadd.f32 v5, v0  }
0xc0: {  	v1 =	vld [tilespmem:s0+$0x1C100];
	[tilespmem:s7+$0x14180] =	vst v2;
	v2 =	vadd.f32 v6, v0  }
0xc1: {  	v4 =	vld [tilespmem:s0+$0x1C180];
	[tilespmem:s7+$0x16000] =	vst v3;
	v3 =	vadd.f32 v8, v0  }
0xc2: {  	v5 =	vld [tilespmem:s0+$0x10000];
	[tilespmem:s7+$0x16080] =	vst v2;
	v0 =	vadd.f32 v7, v0  }
0xc3: {  	v2 =	vld [tilespmem:s0+$0x10080];
	[tilespmem:s7+$0x16100] =	vst v3  }
0xc4: {  	v3 =	vld [tilespmem:s0+$0x10100];
	[tilespmem:s7+$0x16180] =	vst v0;
	s7 =	smov.u32 s0  }
0xc5: {  	v6 =	vld [tilespmem:s7+$0x10180]  }
0xc6: {  	v7 =	vld [tilespmem:s7+$0x12000];
	v0 =	vmov v4  }
0xc7: {  	v4 =	vadd.f32 v5, v9;
	v5 =	vld [tilespmem:s7+$0x12080]  }
0xc8: {  	v2 =	vadd.f32 v2, v9;
	v8 =	vld [tilespmem:s7+$0x12100]  }
0xc9: {  	[tilespmem:s7+$0x10000] =	vst v4;
	v3 =	vadd.f32 v3, v9;
	v11 =	vld [tilespmem:s7+$0x12180]  }
0xca: {  	[tilespmem:s7+$0x10080] =	vst v2;
	v2 =	vadd.f32 v6, v9;
	v6 =	vld [tilespmem:s7+$0x14000]  }
.Ltmp2:
0xcb: {  	[tilespmem:s7+$0x10100] =	vst v3;
	v7 =	vadd.f32 v7, v10;
	v3 =	vld [tilespmem:s7+$0x14080];
	(pc) =	sbr.rel @p0 .LBB2_7-.Ltmp2, $4  }
0xcc: {  	[tilespmem:s7+$0x10180] =	vst v2;
	v5 =	vadd.f32 v5, v10;
	v4 =	vld [tilespmem:s7+$0x14100]  }
0xcd: {  	[tilespmem:s7+$0x12000] =	vst v7;
	v7 =	vadd.f32 v8, v10;
	v2 =	vld [tilespmem:s7+$0x14180]  }
0xce: {  	[tilespmem:s7+$0x12080] =	vst v5;
	v8 =	vadd.f32 v11, v10;
	v5 =	vld [tilespmem:s7+$0x16000]  }
0xcf: {  	s10 =	sadd.s32 $0x40, s10;
	s8 =	sadd.s32 $0x10, s8;
	[tilespmem:s7+$0x12100] =	vst v7;
	v7 =	vadd.f32 v6, v1;
	v6 =	vld [tilespmem:s7+$0x16080]  }
0xd0: {  	[tilespmem:s7+$0x12180] =	vst v8;
	v57 =	vld [tilespmem:s7+$0x16100];
	v3 =	vadd.f32 v3, v1  }
0xd1: {  	v58 =	vld [tilespmem:s7+$0x16180];
	[tilespmem:s7+$0x14000] =	vst v7;
	v4 =	vadd.f32 v4, v1  }
0xd2: {  	[tilespmem:s7+$0x14080] =	vst v3;
	v59 =	vadd.f32 v2, v1  }
0xd3: {  	s20 =	sadd.s32 $0x1, s20;
	[tilespmem:s7+$0x14100] =	vst v4;
	v60 =	vadd.f32 v5, v0  }
0xd4: {  	p0 =	sne.s32 s20, $0x5;
	[tilespmem:s7+$0x14180] =	vst v59;
	v61 =	vadd.f32 v6, v0  }
.Ltmp3:
0xd5: {  	[tilespmem:s7+$0x16000] =	vst v60;
	v62 =	vadd.f32 v57, v0;
	(pc) =	sbr.rel @p0 .LBB2_2-.Ltmp3, $4  }
0xd6: {  	v63 =	vadd.f32 v58, v0;
	[tilespmem:s7+$0x16080] =	vst v61  }
0xd7: {  	s0 =	sshll.u32 s9, $0xC;
	[tilespmem:s7+$0x16100] =	vst v62  }
0xd8: {  	s0 =	sadd.s32 s0, s11;
	[tilespmem:s7+$0x16180] =	vst v63  }
0xd9: {  	[hbm4b:s0+s5] =	stream.linear.scatter [tilespmem:s21], [sflag:$0x9], $0x8000, $0x38;
	[tilespmem:$0x1E000] =	vst v63  }
0xda: {  	_ =	swait.ge [sflag:s23], $0x8000  }
0xdb: {  	[sflag:s23] =	ssyncset.done $0x0  }
0xdc: {  	[sflag:s23] =	ssyncadd.s32 $0xFFFF8000  }
0xdd: {  	s0 =	simm.s32 $0x0;
	_ =	swait.ge [sflag:s24], $0x2000  }
0xde: {  	s7 =	sand.u32 $0x70, s0;
	s0 =	sand.u32 $0x1E00, s0;
	[sflag:s24] =	ssyncset.done $0x0  }
0xdf: {  	s7 =	sor.u32 s7, s0;
	[sflag:s24] =	ssyncadd.s32 $0xFFFFE000  }
0xe0: {  	v2 =	vld [tilespmem:s7+$0x18000]  }
0xe1: {  	v6 =	vld [tilespmem:s7+$0x18080]  }
0xe2: {  	v1 =	vld [tilespmem:s7+$0x18100]  }
0xe3: {  	v0 =	vld [tilespmem:s7+$0x18180]  }
0xe4: {  	v3 =	vld [tilespmem:s7+$0x0]  }
0xe5: {  	v4 =	vld [tilespmem:s7+$0x80]  }
0xe6: {  	v5 =	vld [tilespmem:s7+$0x100]  }
0xe7: {  	v7 =	vld [tilespmem:s7+$0x180]  }
0xe8: {  	v8 =	vld [tilespmem:s7+$0x2000]  }
0xe9: {  	v10 =	vld [tilespmem:s7+$0x2100];
	v3 =	vadd.f32 v3, v2  }
0xea: {  	v9 =	vld [tilespmem:s7+$0x2080];
	v4 =	vadd.f32 v4, v2  }
0xeb: {  	v11 =	vld [tilespmem:s7+$0x2180];
	[tilespmem:s7+$0x0] =	vst v3;
	v3 =	vadd.f32 v5, v2  }
0xec: {  	v12 =	vld [tilespmem:s7+$0x4000];
	[tilespmem:s7+$0x80] =	vst v4;
	v2 =	vadd.f32 v7, v2  }
0xed: {  	v5 =	vadd.f32 v8, v6;
	[tilespmem:s7+$0x100] =	vst v3;
	v3 =	vld [tilespmem:s7+$0x4080]  }
0xee: {  	v4 =	vld [tilespmem:s7+$0x4100];
	v8 =	vadd.f32 v10, v6;
	[tilespmem:s7+$0x180] =	vst v2  }
0xef: {  	v7 =	vadd.f32 v9, v6;
	[tilespmem:s7+$0x2000] =	vst v5;
	v2 =	vld [tilespmem:s7+$0x4180]  }
0xf0: {  	v5 =	vld [tilespmem:s7+$0x6000];
	[tilespmem:s7+$0x2100] =	vst v8;
	v8 =	vadd.f32 v11, v6  }
0xf1: {  	s9 =	simm.s32 $0x40;
	s8 =	simm.s32 $0x10;
	[tilespmem:s7+$0x2080] =	vst v7;
	v7 =	vadd.f32 v12, v1;
	v6 =	vld [tilespmem:s7+$0x6080]  }
.LBB2_10:
0xf2: {  	s0 =	sand.u32 $0x70, s8;
	s10 =	sand.u32 $0x1E00, s9;
	p0 =	sne.s32 s8, $0x7F0;
	[tilespmem:s7+$0x2180] =	vst v8;
	v3 =	vadd.f32 v3, v1;
	v8 =	vld [tilespmem:s7+$0x6100]  }
0xf3: {  	s0 =	sor.u32 s0, s10;
	[tilespmem:s7+$0x4000] =	vst v7;
	v4 =	vadd.f32 v4, v1;
	v7 =	vld [tilespmem:s7+$0x6180]  }
0xf4: {  	v9 =	vld [tilespmem:s0+$0x18000];
	[tilespmem:s7+$0x4080] =	vst v3;
	v2 =	vadd.f32 v2, v1  }
0xf5: {  	v10 =	vld [tilespmem:s0+$0x18080];
	[tilespmem:s7+$0x4100] =	vst v4;
	v3 =	vadd.f32 v5, v0  }
0xf6: {  	v1 =	vld [tilespmem:s0+$0x18100];
	[tilespmem:s7+$0x4180] =	vst v2;
	v2 =	vadd.f32 v6, v0  }
0xf7: {  	v4 =	vld [tilespmem:s0+$0x18180];
	[tilespmem:s7+$0x6000] =	vst v3;
	v3 =	vadd.f32 v8, v0  }
0xf8: {  	v5 =	vld [tilespmem:s0+$0x0];
	[tilespmem:s7+$0x6080] =	vst v2;
	v0 =	vadd.f32 v7, v0  }
0xf9: {  	v2 =	vld [tilespmem:s0+$0x80];
	[tilespmem:s7+$0x6100] =	vst v3  }
0xfa: {  	v3 =	vld [tilespmem:s0+$0x100];
	[tilespmem:s7+$0x6180] =	vst v0;
	s7 =	smov.u32 s0  }
0xfb: {  	v6 =	vld [tilespmem:s7+$0x180]  }
0xfc: {  	v7 =	vld [tilespmem:s7+$0x2000];
	v0 =	vmov v4  }
0xfd: {  	v4 =	vadd.f32 v5, v9;
	v5 =	vld [tilespmem:s7+$0x2080]  }
0xfe: {  	v2 =	vadd.f32 v2, v9;
	v8 =	vld [tilespmem:s7+$0x2100]  }
0xff: {  	[tilespmem:s7+$0x0] =	vst v4;
	v3 =	vadd.f32 v3, v9;
	v11 =	vld [tilespmem:s7+$0x2180]  }
0x100: {  	[tilespmem:s7+$0x80] =	vst v2;
	v2 =	vadd.f32 v6, v9;
	v6 =	vld [tilespmem:s7+$0x4000]  }
.Ltmp4:
0x101: {  	[tilespmem:s7+$0x100] =	vst v3;
	v7 =	vadd.f32 v7, v10;
	v3 =	vld [tilespmem:s7+$0x4080];
	(pc) =	sbr.rel @p0 .LBB2_10-.Ltmp4, $4  }
0x102: {  	[tilespmem:s7+$0x180] =	vst v2;
	v5 =	vadd.f32 v5, v10;
	v4 =	vld [tilespmem:s7+$0x4100]  }
0x103: {  	[tilespmem:s7+$0x2000] =	vst v7;
	v7 =	vadd.f32 v8, v10;
	v2 =	vld [tilespmem:s7+$0x4180]  }
0x104: {  	[tilespmem:s7+$0x2080] =	vst v5;
	v8 =	vadd.f32 v11, v10;
	v5 =	vld [tilespmem:s7+$0x6000]  }
0x105: {  	s9 =	sadd.s32 $0x40, s9;
	s8 =	sadd.s32 $0x10, s8;
	[tilespmem:s7+$0x2100] =	vst v7;
	v7 =	vadd.f32 v6, v1;
	v6 =	vld [tilespmem:s7+$0x6080]  }
0x106: {  	[tilespmem:s7+$0x2180] =	vst v8;
	v57 =	vld [tilespmem:s7+$0x6100];
	v3 =	vadd.f32 v3, v1  }
0x107: {  	v58 =	vld [tilespmem:s7+$0x6180];
	[tilespmem:s7+$0x4000] =	vst v7;
	v4 =	vadd.f32 v4, v1  }
0x108: {  	[tilespmem:s7+$0x4080] =	vst v3;
	v59 =	vadd.f32 v2, v1  }
0x109: {  	[tilespmem:s7+$0x4100] =	vst v4;
	v60 =	vadd.f32 v5, v0  }
0x10a: {  	[tilespmem:s7+$0x4180] =	vst v59;
	v61 =	vadd.f32 v6, v0  }
0x10b: {  	[tilespmem:s7+$0x6000] =	vst v60;
	v62 =	vadd.f32 v57, v0  }
0x10c: {  	v63 =	vadd.f32 v58, v0;
	[tilespmem:s7+$0x6080] =	vst v61  }
0x10d: {  	[tilespmem:s7+$0x6100] =	vst v62  }
0x10e: {  	s0 =	rddreg [dreg:$0x8];
	s15 =	simm.s32 $0x8;
	[tilespmem:s7+$0x6180] =	vst v63  }
0x10f: {  	[hbm4b:s0+s5] =	stream.linear.scatter [tilespmem:s5], [sflag:$0x7], $0x8000, $0x38;
	[tilespmem:$0x1E000] =	vst v63  }
0x110: {  	_ =	swait.ge [sflag:s15], $0x8000  }
0x111: {  	[sflag:s15] =	ssyncset.done $0x0  }
0x112: {  	s20 =	simm.s32 $0x9;
	[sflag:s15] =	ssyncadd.s32 $0xFFFF8000  }
0x113: {  	_ =	swait.ge [sflag:s20], $0x8000  }
0x114: {  	[sflag:s20] =	ssyncset.done $0x0  }
0x115: {  	[sflag:s20] =	ssyncadd.s32 $0xFFFF8000  }
0x116: {  	_ =	swait.ge [sflag:s25], $0x8000  }
0x117: {  	s3 =	sadd.s32 $0x1, s3;
	s31 =	rddreg [dreg:$0x9]  }
0x118: {  	p0 =	sne.s32 s3, s31  }
.Ltmp5:
0x119: {  	_ = 	snop;
	(pc) =	sbr.rel @p0 .LBB2_1-.Ltmp5, $3  }
0x11a: {  	_ =	sdelay $0x1  }
0x11b: {  	[sflag:s25] =	ssyncset.done $0x0  }
0x11c: {  	[sflag:s25] =	ssyncadd.s32 $0xFFFF8000  }
0x11d: {  	_ =	sfence.sel $0x180000  }
0x11e: {  	[bflag:$0x0] =	sbarrier.arrive $0xFFFF  }
0x11f: {  	_ =	strace $0x90000047  }
0x120: {  	s0 =	stileid.u32;
	[bflag:$0x2] =	sbarrier.arrive $0xFFFF  }
0x121: {  	p0 =	sne.s32 s0, $0x0;
	s0 =	rddreg [dreg:$0x3]  }
0x122: {  	s0 =	sadd.s32 @!p0 $0x100000, s0  }
0x123: {  	[sflag:s0] =	ssyncadd.tile.s32 @!p0 $0x1;
	_ =	shalt  }
.Lfunc_end2:
_tile_overlayer_lowered:
.L_overlay_start_2:
0x124: {  	(tag) =	ssettag $0x2  }
0x125: {  	s0 =	rddreg [dreg:$0x0];
	s2 =	stileid.u32  }
0x126: {  	s1 =	rddreg [dreg:$0x1];
	p0 =	sne.s32 s2, $0x0  }
0x127: {  	s3 =	rddreg [dreg:$0x2];
	[bflag:$0x3] =	sbarrier.arrive $0xFFFF;
	s2 =	simm.s32 @!p0 $0x1C0A  }
0x128: {  	[timem:s3], [sflag:s2] =	dma.local @!p0 [hbm:s0], s1  }
0x129: {  	s0 =	simm.s32 @!p0 $0xA  }
0x12a: {  	_ =	swait.ge @!p0 [sflag:s0], s1  }
0x12b: {  	s1 =	ssub.s32 @!p0 $0x0, s1;
	[sflag:s0] =	ssyncset.done @!p0 $0x0  }
0x12c: {  	[sflag:s0] =	ssyncadd.s32 @!p0 s1  }
0x12d: {  	[bflag:$0x3] =	sbarrier.arrive $0xFFFF  }
0x12e: {  	_ =	shalt  }

</sc_bundles>
